<compile_context>
chip_gen: v7x
topology: tpu7x:2x2x1
jax: 0.10.2.dev20260603
libtpu: 0.0.44.dev20260713+nightly
codegen_flags: <defaults>
</compile_context>

<pallas_src>
import functools

import jax
import jax.numpy as jnp
from jax import lax
from jax.experimental import pallas as pl
from jax.experimental.pallas import tpu as pltpu
from jax.experimental.pallas import tpu_sc as plsc

T = 16384
D = 4096
E = 64
K = 8

NCH = 1
TCH = T // NCH
RB = 512

NW = 32
RPW = TCH // NW
UNROLL = 8


def _noisy_body(x_ref, w_ref, b_ref, eps_ref, out_ref):
    acc = jnp.dot(x_ref[...], w_ref[...], preferred_element_type=jnp.float32)
    acc = acc + b_ref[...]
    out_ref[...] = acc[:, :E] + eps_ref[...] * jax.nn.softplus(acc[:, E:])


def _tc_noisy(x, Wc, bc, eps):
    return pl.pallas_call(
        _noisy_body,
        grid=(TCH // RB,),
        in_specs=[
            pl.BlockSpec((RB, D), lambda i: (i, 0)),
            pl.BlockSpec((D, 2 * E), lambda i: (0, 0)),
            pl.BlockSpec((1, 2 * E), lambda i: (0, 0)),
            pl.BlockSpec((RB, E), lambda i: (i, 0)),
        ],
        out_specs=pl.BlockSpec((RB, E), lambda i: (i, 0)),
        out_shape=jax.ShapeDtypeStruct((TCH, E), jnp.float32),
    )(x, Wc, bc, eps)


def _merge16(ka, va, kb, vb, descending):
    take_b = jnp.logical_or(kb > ka, jnp.logical_and(kb == ka, vb < va))
    mk = jnp.where(take_b, kb, ka)
    mv = jnp.where(take_b, vb, va)
    return plsc.sort_key_val(mk, mv, descending=descending)


@functools.partial(
    pl.kernel,
    mesh=plsc.VectorSubcoreMesh(core_axis_name="c", subcore_axis_name="s"),
    compiler_params=pltpu.CompilerParams(needs_layout_passes=False),
    out_type=[
        jax.ShapeDtypeStruct((TCH * E,), jnp.float32),
        jax.ShapeDtypeStruct((TCH * K,), jnp.int32),
    ],
    scratch_types=[
        pltpu.VMEM((RPW * E,), jnp.float32),
        pltpu.VMEM((RPW * E,), jnp.float32),
        pltpu.VMEM((RPW * K,), jnp.int32),
    ],
)
def _sc_router(noisy_hbm, probs_hbm, idx_hbm, noisy_v, probs_v, idx_v):
    wid = lax.axis_index("s") * 2 + lax.axis_index("c")
    base = wid * RPW
    pltpu.sync_copy(noisy_hbm.at[pl.ds(base * E, RPW * E)], noisy_v)

    lanes = lax.iota(jnp.int32, 16)
    lane8 = lanes < 8
    lanemod8 = jnp.bitwise_and(lanes, 7)
    zeros16 = jnp.zeros((16,), jnp.float32)
    idx_consts = [lanes + c * 16 for c in range(E // 16)]

    def do_row(r):
        sorted_chunks = [
            plsc.sort_key_val(noisy_v[pl.ds(r * E + c * 16, 16)],
                              idx_consts[c], descending=(c % 2 == 0))
            for c in range(E // 16)
        ]
        k01, v01 = _merge16(*sorted_chunks[0], *sorted_chunks[1],
                            descending=True)
        k23, v23 = _merge16(*sorted_chunks[2], *sorted_chunks[3],
                            descending=False)
        tk, tv = _merge16(k01, v01, k23, v23, descending=True)

        u = jnp.where(lane8, jnp.exp(tk), 0.0)
        p = u / jnp.sum(u)

        plsc.store_scatter(probs_v, [r * E + tv], p, mask=lane8)
        plsc.store_scatter(idx_v, [r * K + lanemod8], tv, mask=lane8)

    @plsc.parallel_loop(0, RPW * E // 16, 1, unroll=32)
    def _zero(j):
        probs_v[pl.ds(j * 16, 16)] = zeros16

    @plsc.parallel_loop(0, RPW, 1, unroll=UNROLL)
    def _rows(r):
        do_row(r)

    pltpu.sync_copy(probs_v, probs_hbm.at[pl.ds(base * E, RPW * E)])
    pltpu.sync_copy(idx_v, idx_hbm.at[pl.ds(base * K, RPW * K)])


@jax.jit
def kernel(x, W1, b1, W2, b2):
    eps = jax.random.normal(jax.random.key(42), (T, E), dtype=jnp.float32)
    Wc = jnp.concatenate([W1, W2], axis=1)
    bc = jnp.concatenate([b1, b2]).reshape(1, 2 * E)

    probs_chunks = []
    idx_chunks = []
    for c in range(NCH):
        sl = slice(c * TCH, (c + 1) * TCH)
        noisy = _tc_noisy(x[sl], Wc, bc, eps[sl])
        pf, ix = _sc_router(noisy.reshape(TCH * E))
        probs_chunks.append(pf.reshape(TCH, E))
        idx_chunks.append(ix.reshape(TCH, K))

    return (jnp.concatenate(probs_chunks, axis=0),
            jnp.concatenate(idx_chunks, axis=0))

# --- scband reference (transcript-rebuilt; emitter-appended) ---
"""Pipeline reference for scband-noisy-topk-router-75531294868085 (READ-ONLY COPY).

The authoritative reference and input builder live on the scoring server;
editing this copy changes nothing except your own understanding.
"""

import jax, jax.numpy as jnp
import numpy as np

T = 16384
D = 4096
E = 64
K = 8

def setup_inputs(seed: int = 0) -> dict:
    key = jax.random.key(seed)
    ks = jax.random.split(key, 5)
    x = jax.random.normal(ks[0], (T, D), dtype=jnp.float32)
    s = 1.0 / np.sqrt(D)
    W1 = jax.random.uniform(ks[1], (D, E), minval=-s, maxval=s, dtype=jnp.float32)
    b1 = jax.random.uniform(ks[2], (E,), minval=-s, maxval=s, dtype=jnp.float32)
    W2 = jax.random.uniform(ks[3], (D, E), minval=-s, maxval=s, dtype=jnp.float32)
    b2 = jax.random.uniform(ks[4], (E,), minval=-s, maxval=s, dtype=jnp.float32)
    return {"x": x, "W1": W1, "b1": b1, "W2": W2, "b2": b2}

def reference(x, W1, b1, W2, b2):
    logits = x @ W1 + b1
    noise_logits = x @ W2 + b2
    eps = jax.random.normal(jax.random.key(42), logits.shape, dtype=logits.dtype)
    noise = eps * jax.nn.softplus(noise_logits)
    noisy_logits = logits + noise
    topk_logits, indices = jax.lax.top_k(noisy_logits, K)
    rows = jnp.arange(noisy_logits.shape[0])[:, None]
    sparse_logits = jnp.full_like(logits, -jnp.inf).at[rows, indices].set(topk_logits)
    probs = jax.nn.softmax(sparse_logits, axis=-1)
    return (probs, indices)

if __name__ == "__main__":
    import jax
    _d = setup_inputs()
    print(jax.jit(kernel)(*tuple(_d.values())))

</pallas_src>

<mosaic_0001>
#map = affine_map<(d0, d1) -> (0)>
module attributes {stable_mosaic.version = 14 : i64} {
  func.func @_sc_router(%arg0: i32, %arg1: i32, %arg2: memref<1048576xf32, #tpu.memory_space<hbm>>, %arg3: memref<1048576xf32, #tpu.memory_space<hbm>>, %arg4: memref<131072xi32, #tpu.memory_space<hbm>>, %arg5: memref<32768xf32, #tpu.memory_space<vmem>>, %arg6: memref<32768xf32, #tpu.memory_space<vmem>>, %arg7: memref<4096xi32, #tpu.memory_space<vmem>>) attributes {dimension_semantics = [#tpu.dimension_semantics<core_parallel>, #tpu.dimension_semantics<subcore_parallel>], iteration_bounds = array<i64: 2, 16>, scalar_prefetch = 0 : i64, scratch_operands = 3 : i64, tpu.core_type = #tpu.core_type<sc_vector_subcore>, window_params = [{transform_indices = #map}, {transform_indices = #map}, {transform_indices = #map}]} {
    %mul3A = arith.constant 2 : i32
    %mul3A_0 = arith.muli %arg1, %mul3A : i32
    %add3A = arith.addi %mul3A_0, %arg0 : i32
    %mul3A_1 = arith.constant 512 : i32
    %mul3A_2 = arith.muli %add3A, %mul3A_1 : i32
    %mul3A_3 = arith.constant 64 : i32
    %mul3A_4 = arith.muli %mul3A_2, %mul3A_3 : i32
    "tpu.region"() ({
      %run_scoped3A = tpu.sem_alloc : memref<!tpu.dma_semaphore, #tpu.memory_space<semaphore_mem>>
      %dma_start3A = tpu.memref_slice %arg2[%mul3A_4] : memref<1048576xf32, #tpu.memory_space<hbm>> -> memref<32768xf32, #tpu.memory_space<hbm>>
      %dma_start3A_31 = tpu.memref_slice %arg2[%mul3A_4] : memref<1048576xf32, #tpu.memory_space<hbm>> -> memref<32768xf32, #tpu.memory_space<hbm>>
      tpu.enqueue_dma source(%dma_start3A_31 : memref<32768xf32, #tpu.memory_space<hbm>>) target(%arg5 : memref<32768xf32, #tpu.memory_space<vmem>>) target_semaphore(%run_scoped3A : memref<!tpu.dma_semaphore, #tpu.memory_space<semaphore_mem>>)
      %dma_wait3A = tpu.memref_slice %arg2[%mul3A_4] : memref<1048576xf32, #tpu.memory_space<hbm>> -> memref<32768xf32, #tpu.memory_space<hbm>>
      %dma_wait3A_32 = tpu.memref_slice %arg2[%mul3A_4] : memref<1048576xf32, #tpu.memory_space<hbm>> -> memref<32768xf32, #tpu.memory_space<hbm>>
      tpu.wait_dma2 semaphore(%run_scoped3A : memref<!tpu.dma_semaphore, #tpu.memory_space<semaphore_mem>>) src(%dma_wait3A_32 : memref<32768xf32, #tpu.memory_space<hbm>>) dst(%arg5 : memref<32768xf32, #tpu.memory_space<vmem>>)
      tpu.yield
    }) : () -> ()
    %iota3A = tpu.iota {dimensions = array<i32: 0>} : vector<16xi32>
    %lt3A = arith.constant 8 : i32
    %lt3A_5 = vector.broadcast %lt3A : i32 to vector<16xi32>
    %lt3A_6 = arith.cmpi slt, %iota3A, %lt3A_5 : vector<16xi32>
    %and3A = arith.constant 7 : i32
    %and3A_7 = vector.broadcast %and3A : i32 to vector<16xi32>
    %and3A_8 = arith.andi %iota3A, %and3A_7 : vector<16xi32>
    %broadcast_in_dim3A = arith.constant 0.000000e+00 : f32
    %broadcast_in_dim3A_9 = vector.broadcast %broadcast_in_dim3A : f32 to vector<16xf32>
    %add3A_10 = arith.constant 0 : i32
    %add3A_11 = vector.broadcast %add3A_10 : i32 to vector<16xi32>
    %add3A_12 = arith.addi %iota3A, %add3A_11 : vector<16xi32>
    %add3A_13 = arith.constant 16 : i32
    %add3A_14 = vector.broadcast %add3A_13 : i32 to vector<16xi32>
    %add3A_15 = arith.addi %iota3A, %add3A_14 : vector<16xi32>
    %add3A_16 = arith.constant 32 : i32
    %add3A_17 = vector.broadcast %add3A_16 : i32 to vector<16xi32>
    %add3A_18 = arith.addi %iota3A, %add3A_17 : vector<16xi32>
    %add3A_19 = arith.constant 48 : i32
    %add3A_20 = vector.broadcast %add3A_19 : i32 to vector<16xi32>
    %add3A_21 = arith.addi %iota3A, %add3A_20 : vector<16xi32>
    %parallel_loop3A = arith.constant 0 : i32
    %parallel_loop3A_22 = arith.constant 2048 : i32
    %parallel_loop3A_23 = arith.constant 1 : i32
    scf.for %parallel_loop3A_31 = %parallel_loop3A to %parallel_loop3A_22 step %parallel_loop3A_23  : i32 {
      %parallel_loop3A_32 = arith.constant 16 : i32
      %parallel_loop3A_33 = arith.muli %parallel_loop3A_31, %parallel_loop3A_32 : i32
      %parallel_loop3A_34 = arith.index_cast %parallel_loop3A_33 : i32 to index
      %parallel_loop3A_35 = tpu.vector_load %arg6[%parallel_loop3A_34] {strides = array<i32>} : memref<32768xf32, #tpu.memory_space<vmem>>, vector<16xf32>,
      tpu.vector_store %arg6[%parallel_loop3A_34], %broadcast_in_dim3A_9 {strides = array<i32>} : memref<32768xf32, #tpu.memory_space<vmem>>, vector<16xf32>,
    } {sc.loop_unroll_factor = 32 : i64, sc.parallel_access}
    %parallel_loop3A_24 = arith.constant 0 : i32
    %parallel_loop3A_25 = arith.constant 512 : i32
    %parallel_loop3A_26 = arith.constant 1 : i32
    scf.for %parallel_loop3A_31 = %parallel_loop3A_24 to %parallel_loop3A_25 step %parallel_loop3A_26  : i32 {
      %parallel_loop3A_32 = arith.constant 64 : i32
      %parallel_loop3A_33 = arith.muli %parallel_loop3A_31, %parallel_loop3A_32 : i32
      %parallel_loop3A_34 = arith.constant 0 : i32
      %parallel_loop3A_35 = arith.addi %parallel_loop3A_33, %parallel_loop3A_34 : i32
      %parallel_loop3A_36 = arith.index_cast %parallel_loop3A_35 : i32 to index
      %parallel_loop3A_37 = tpu.vector_load %arg5[%parallel_loop3A_36] {strides = array<i32>} : memref<32768xf32, #tpu.memory_space<vmem>>, vector<16xf32>,
      %parallel_loop3A_38 = arith.constant dense<true> : vector<16xi1>
      %parallel_loop3A_39, %parallel_loop3A_40, %parallel_loop3A_41 = tpu.sort %parallel_loop3A_37, %add3A_12 masked %parallel_loop3A_38 {descending = true} : (vector<16xf32>, vector<16xi32>, vector<16xi1>) -> (vector<16xi1>, vector<16xf32>, vector<16xi32>)
      %parallel_loop3A_42 = arith.constant 64 : i32
      %parallel_loop3A_43 = arith.muli %parallel_loop3A_31, %parallel_loop3A_42 : i32
      %parallel_loop3A_44 = arith.constant 16 : i32
      %parallel_loop3A_45 = arith.addi %parallel_loop3A_43, %parallel_loop3A_44 : i32
      %parallel_loop3A_46 = arith.index_cast %parallel_loop3A_45 : i32 to index
      %parallel_loop3A_47 = tpu.vector_load %arg5[%parallel_loop3A_46] {strides = array<i32>} : memref<32768xf32, #tpu.memory_space<vmem>>, vector<16xf32>,
      %parallel_loop3A_48 = arith.constant dense<true> : vector<16xi1>
      %parallel_loop3A_49, %parallel_loop3A_50, %parallel_loop3A_51 = tpu.sort %parallel_loop3A_47, %add3A_15 masked %parallel_loop3A_48 : (vector<16xf32>, vector<16xi32>, vector<16xi1>) -> (vector<16xi1>, vector<16xf32>, vector<16xi32>)
      %parallel_loop3A_52 = arith.constant 64 : i32
      %parallel_loop3A_53 = arith.muli %parallel_loop3A_31, %parallel_loop3A_52 : i32
      %parallel_loop3A_54 = arith.constant 32 : i32
      %parallel_loop3A_55 = arith.addi %parallel_loop3A_53, %parallel_loop3A_54 : i32
      %parallel_loop3A_56 = arith.index_cast %parallel_loop3A_55 : i32 to index
      %parallel_loop3A_57 = tpu.vector_load %arg5[%parallel_loop3A_56] {strides = array<i32>} : memref<32768xf32, #tpu.memory_space<vmem>>, vector<16xf32>,
      %parallel_loop3A_58 = arith.constant dense<true> : vector<16xi1>
      %parallel_loop3A_59, %parallel_loop3A_60, %parallel_loop3A_61 = tpu.sort %parallel_loop3A_57, %add3A_18 masked %parallel_loop3A_58 {descending = true} : (vector<16xf32>, vector<16xi32>, vector<16xi1>) -> (vector<16xi1>, vector<16xf32>, vector<16xi32>)
      %parallel_loop3A_62 = arith.constant 64 : i32
      %parallel_loop3A_63 = arith.muli %parallel_loop3A_31, %parallel_loop3A_62 : i32
      %parallel_loop3A_64 = arith.constant 48 : i32
      %parallel_loop3A_65 = arith.addi %parallel_loop3A_63, %parallel_loop3A_64 : i32
      %parallel_loop3A_66 = arith.index_cast %parallel_loop3A_65 : i32 to index
      %parallel_loop3A_67 = tpu.vector_load %arg5[%parallel_loop3A_66] {strides = array<i32>} : memref<32768xf32, #tpu.memory_space<vmem>>, vector<16xf32>,
      %parallel_loop3A_68 = arith.constant dense<true> : vector<16xi1>
      %parallel_loop3A_69, %parallel_loop3A_70, %parallel_loop3A_71 = tpu.sort %parallel_loop3A_67, %add3A_21 masked %parallel_loop3A_68 : (vector<16xf32>, vector<16xi32>, vector<16xi1>) -> (vector<16xi1>, vector<16xf32>, vector<16xi32>)
      %parallel_loop3A_72 = arith.cmpf ogt, %parallel_loop3A_50, %parallel_loop3A_40 : vector<16xf32>
      %parallel_loop3A_73 = arith.cmpf oeq, %parallel_loop3A_50, %parallel_loop3A_40 : vector<16xf32>
      %parallel_loop3A_74 = arith.cmpi slt, %parallel_loop3A_51, %parallel_loop3A_41 : vector<16xi32>
      %parallel_loop3A_75 = arith.andi %parallel_loop3A_73, %parallel_loop3A_74 : vector<16xi1>
      %parallel_loop3A_76 = arith.ori %parallel_loop3A_72, %parallel_loop3A_75 : vector<16xi1>
      %parallel_loop3A_77 = arith.select %parallel_loop3A_76, %parallel_loop3A_50, %parallel_loop3A_40 : vector<16xi1>, vector<16xf32>
      %parallel_loop3A_78 = arith.select %parallel_loop3A_76, %parallel_loop3A_51, %parallel_loop3A_41 : vector<16xi1>, vector<16xi32>
      %parallel_loop3A_79 = arith.constant dense<true> : vector<16xi1>
      %parallel_loop3A_80, %parallel_loop3A_81, %parallel_loop3A_82 = tpu.sort %parallel_loop3A_77, %parallel_loop3A_78 masked %parallel_loop3A_79 {descending = true} : (vector<16xf32>, vector<16xi32>, vector<16xi1>) -> (vector<16xi1>, vector<16xf32>, vector<16xi32>)
      %parallel_loop3A_83 = arith.cmpf ogt, %parallel_loop3A_70, %parallel_loop3A_60 : vector<16xf32>
      %parallel_loop3A_84 = arith.cmpf oeq, %parallel_loop3A_70, %parallel_loop3A_60 : vector<16xf32>
      %parallel_loop3A_85 = arith.cmpi slt, %parallel_loop3A_71, %parallel_loop3A_61 : vector<16xi32>
      %parallel_loop3A_86 = arith.andi %parallel_loop3A_84, %parallel_loop3A_85 : vector<16xi1>
      %parallel_loop3A_87 = arith.ori %parallel_loop3A_83, %parallel_loop3A_86 : vector<16xi1>
      %parallel_loop3A_88 = arith.select %parallel_loop3A_87, %parallel_loop3A_70, %parallel_loop3A_60 : vector<16xi1>, vector<16xf32>
      %parallel_loop3A_89 = arith.select %parallel_loop3A_87, %parallel_loop3A_71, %parallel_loop3A_61 : vector<16xi1>, vector<16xi32>
      %parallel_loop3A_90 = arith.constant dense<true> : vector<16xi1>
      %parallel_loop3A_91, %parallel_loop3A_92, %parallel_loop3A_93 = tpu.sort %parallel_loop3A_88, %parallel_loop3A_89 masked %parallel_loop3A_90 : (vector<16xf32>, vector<16xi32>, vector<16xi1>) -> (vector<16xi1>, vector<16xf32>, vector<16xi32>)
      %parallel_loop3A_94 = arith.cmpf ogt, %parallel_loop3A_92, %parallel_loop3A_81 : vector<16xf32>
      %parallel_loop3A_95 = arith.cmpf oeq, %parallel_loop3A_92, %parallel_loop3A_81 : vector<16xf32>
      %parallel_loop3A_96 = arith.cmpi slt, %parallel_loop3A_93, %parallel_loop3A_82 : vector<16xi32>
      %parallel_loop3A_97 = arith.andi %parallel_loop3A_95, %parallel_loop3A_96 : vector<16xi1>
      %parallel_loop3A_98 = arith.ori %parallel_loop3A_94, %parallel_loop3A_97 : vector<16xi1>
      %parallel_loop3A_99 = arith.select %parallel_loop3A_98, %parallel_loop3A_92, %parallel_loop3A_81 : vector<16xi1>, vector<16xf32>
      %parallel_loop3A_100 = arith.select %parallel_loop3A_98, %parallel_loop3A_93, %parallel_loop3A_82 : vector<16xi1>, vector<16xi32>
      %parallel_loop3A_101 = arith.constant dense<true> : vector<16xi1>
      %parallel_loop3A_102, %parallel_loop3A_103, %parallel_loop3A_104 = tpu.sort %parallel_loop3A_99, %parallel_loop3A_100 masked %parallel_loop3A_101 {descending = true} : (vector<16xf32>, vector<16xi32>, vector<16xi1>) -> (vector<16xi1>, vector<16xf32>, vector<16xi32>)
      %parallel_loop3A_105 = math.exp %parallel_loop3A_103 : vector<16xf32>
      %parallel_loop3A_106 = arith.constant 0.000000e+00 : f32
      %parallel_loop3A_107 = vector.broadcast %parallel_loop3A_106 : f32 to vector<16xf32>
      %parallel_loop3A_108 = arith.select %lt3A_6, %parallel_loop3A_105, %parallel_loop3A_107 : vector<16xi1>, vector<16xf32>
      %parallel_loop3A_109 = arith.constant true
      %parallel_loop3A_110 = vector.broadcast %parallel_loop3A_109 : i1 to vector<16xi1>
      %parallel_loop3A_111 = tpu.scan <sum>, %parallel_loop3A_108 masked %parallel_loop3A_110 : vector<16xf32>, vector<16xi1> -> vector<16xf32>
      %parallel_loop3A_112 = vector.extract %parallel_loop3A_111[15] : f32 from vector<16xf32>
      %parallel_loop3A_113 = vector.broadcast %parallel_loop3A_112 : f32 to vector<16xf32>
      %parallel_loop3A_114 = arith.divf %parallel_loop3A_108, %parallel_loop3A_113 : vector<16xf32>
      %parallel_loop3A_115 = arith.constant 64 : i32
      %parallel_loop3A_116 = arith.muli %parallel_loop3A_31, %parallel_loop3A_115 : i32
      %parallel_loop3A_117 = vector.broadcast %parallel_loop3A_116 : i32 to vector<16xi32>
      %parallel_loop3A_118 = arith.addi %parallel_loop3A_117, %parallel_loop3A_104 : vector<16xi32>
      tpu.vector_store_idx %arg6[%parallel_loop3A_118], %parallel_loop3A_114 masked %lt3A_6 : memref<32768xf32, #tpu.memory_space<vmem>>[vector<16xi32>], vector<16xf32>, vector<16xi1>
      %parallel_loop3A_119 = arith.constant 8 : i32
      %parallel_loop3A_120 = arith.muli %parallel_loop3A_31, %parallel_loop3A_119 : i32
      %parallel_loop3A_121 = vector.broadcast %parallel_loop3A_120 : i32 to vector<16xi32>
      %parallel_loop3A_122 = arith.addi %parallel_loop3A_121, %and3A_8 : vector<16xi32>
      tpu.vector_store_idx %arg7[%parallel_loop3A_122], %parallel_loop3A_104 masked %lt3A_6 : memref<4096xi32, #tpu.memory_space<vmem>>[vector<16xi32>], vector<16xi32>, vector<16xi1>
    } {sc.loop_unroll_factor = 8 : i64, sc.parallel_access}
    %mul3A_27 = arith.constant 64 : i32
    %mul3A_28 = arith.muli %mul3A_2, %mul3A_27 : i32
    "tpu.region"() ({
      %run_scoped3A = tpu.sem_alloc : memref<!tpu.dma_semaphore, #tpu.memory_space<semaphore_mem>>
      %dma_start3A = tpu.memref_slice %arg3[%mul3A_28] : memref<1048576xf32, #tpu.memory_space<hbm>> -> memref<32768xf32, #tpu.memory_space<hbm>>
      %dma_start3A_31 = tpu.memref_slice %arg3[%mul3A_28] : memref<1048576xf32, #tpu.memory_space<hbm>> -> memref<32768xf32, #tpu.memory_space<hbm>>
      tpu.enqueue_dma source(%arg6 : memref<32768xf32, #tpu.memory_space<vmem>>) target(%dma_start3A_31 : memref<32768xf32, #tpu.memory_space<hbm>>) target_semaphore(%run_scoped3A : memref<!tpu.dma_semaphore, #tpu.memory_space<semaphore_mem>>)
      %dma_wait3A = tpu.memref_slice %arg3[%mul3A_28] : memref<1048576xf32, #tpu.memory_space<hbm>> -> memref<32768xf32, #tpu.memory_space<hbm>>
      %dma_wait3A_32 = tpu.memref_slice %arg3[%mul3A_28] : memref<1048576xf32, #tpu.memory_space<hbm>> -> memref<32768xf32, #tpu.memory_space<hbm>>
      tpu.wait_dma2 semaphore(%run_scoped3A : memref<!tpu.dma_semaphore, #tpu.memory_space<semaphore_mem>>) src(%arg6 : memref<32768xf32, #tpu.memory_space<vmem>>) dst(%dma_wait3A_32 : memref<32768xf32, #tpu.memory_space<hbm>>)
      tpu.yield
    }) : () -> ()
    %mul3A_29 = arith.constant 8 : i32
    %mul3A_30 = arith.muli %mul3A_2, %mul3A_29 : i32
    "tpu.region"() ({
      %run_scoped3A = tpu.sem_alloc : memref<!tpu.dma_semaphore, #tpu.memory_space<semaphore_mem>>
      %dma_start3A = tpu.memref_slice %arg4[%mul3A_30] : memref<131072xi32, #tpu.memory_space<hbm>> -> memref<4096xi32, #tpu.memory_space<hbm>>
      %dma_start3A_31 = tpu.memref_slice %arg4[%mul3A_30] : memref<131072xi32, #tpu.memory_space<hbm>> -> memref<4096xi32, #tpu.memory_space<hbm>>
      tpu.enqueue_dma source(%arg7 : memref<4096xi32, #tpu.memory_space<vmem>>) target(%dma_start3A_31 : memref<4096xi32, #tpu.memory_space<hbm>>) target_semaphore(%run_scoped3A : memref<!tpu.dma_semaphore, #tpu.memory_space<semaphore_mem>>)
      %dma_wait3A = tpu.memref_slice %arg4[%mul3A_30] : memref<131072xi32, #tpu.memory_space<hbm>> -> memref<4096xi32, #tpu.memory_space<hbm>>
      %dma_wait3A_32 = tpu.memref_slice %arg4[%mul3A_30] : memref<131072xi32, #tpu.memory_space<hbm>> -> memref<4096xi32, #tpu.memory_space<hbm>>
      tpu.wait_dma2 semaphore(%run_scoped3A : memref<!tpu.dma_semaphore, #tpu.memory_space<semaphore_mem>>) src(%arg7 : memref<4096xi32, #tpu.memory_space<vmem>>) dst(%dma_wait3A_32 : memref<4096xi32, #tpu.memory_space<hbm>>)
      tpu.yield
    }) : () -> ()
    return
  }
}

module attributes {stable_mosaic.version = 14 : i64} {
  func.func @_noisy_body(%arg0: i32, %arg1: memref<512x4096xf32, #tpu.memory_space<vmem>>, %arg2: memref<4096x128xf32, #tpu.memory_space<vmem>>, %arg3: memref<1x128xf32, #tpu.memory_space<vmem>>, %arg4: memref<512x64xf32, #tpu.memory_space<vmem>>, %arg5: memref<512x64xf32, #tpu.memory_space<vmem>>) attributes {dimension_semantics = [#tpu.dimension_semantics<arbitrary>], iteration_bounds = array<i64: 32>, scalar_prefetch = 0 : i64, scratch_operands = 0 : i64, tpu.core_type = #tpu.core_type<tc>, window_params = [{transform_indices = @transform_0, window_bounds = array<i64: 512, 4096>}, {pipeline_mode = #tpu.pipeline_mode<synchronous>, transform_indices = @transform_1, window_bounds = array<i64: 4096, 128>}, {pipeline_mode = #tpu.pipeline_mode<synchronous>, transform_indices = @transform_2, window_bounds = array<i64: 1, 128>}, {transform_indices = @transform_3, window_bounds = array<i64: 512, 64>}, {transform_indices = @transform_4, window_bounds = array<i64: 512, 64>}]} {
    %get3A = arith.constant 0 : index
    %get3A_0 = arith.constant 0 : index
    %get3A_1 = vector.load %arg1[%get3A, %get3A_0] : memref<512x4096xf32, #tpu.memory_space<vmem>>, vector<512x4096xf32>
    %get3A_2 = arith.constant 0 : index
    %get3A_3 = arith.constant 0 : index
    %get3A_4 = vector.load %arg2[%get3A_2, %get3A_3] : memref<4096x128xf32, #tpu.memory_space<vmem>>, vector<4096x128xf32>
    %dot_general3A = arith.constant dense<0.000000e+00> : vector<512x128xf32>
    %dot_general3A_5 = tpu.matmul %get3A_1, %get3A_4, %dot_general3A {dimension_numbers = #tpu.dot_dimension_numbers<[1], [0], [0], [1], [0, 0, 1, 1], [], []>, transpose_lhs_hint = false} : vector<512x4096xf32>, vector<4096x128xf32>, vector<512x128xf32> -> vector<512x128xf32>
    %get3A_6 = arith.constant 0 : index
    %get3A_7 = arith.constant 0 : index
    %get3A_8 = vector.load %arg3[%get3A_6, %get3A_7] : memref<1x128xf32, #tpu.memory_space<vmem>>, vector<1x128xf32>
    %add3A = vector.broadcast %get3A_8 : vector<1x128xf32> to vector<512x128xf32>
    %add3A_9 = arith.addf %dot_general3A_5, %add3A : vector<512x128xf32>
    %slice3A = vector.extract_strided_slice %add3A_9 {offsets = [0, 0], sizes = [512, 64], strides = [1, 1]} : vector<512x128xf32> to vector<512x64xf32>
    %get3A_10 = arith.constant 0 : index
    %get3A_11 = arith.constant 0 : index
    %get3A_12 = vector.load %arg4[%get3A_10, %get3A_11] : memref<512x64xf32, #tpu.memory_space<vmem>>, vector<512x64xf32>
    %slice3A_13 = vector.extract_strided_slice %add3A_9 {offsets = [0, 64], sizes = [512, 64], strides = [1, 1]} : vector<512x128xf32> to vector<512x64xf32>
    %custom_jvp_call3A = arith.constant 0.000000e+00 : f32
    %max3A = vector.broadcast %custom_jvp_call3A : f32 to vector<512x64xf32>
    %max3A_14 = arith.maximumf %slice3A_13, %max3A : vector<512x64xf32>
    %sub3A = vector.broadcast %custom_jvp_call3A : f32 to vector<512x64xf32>
    %sub3A_15 = arith.subf %slice3A_13, %sub3A : vector<512x64xf32>
    %ne3A = arith.cmpf one, %sub3A_15, %sub3A_15 : vector<512x64xf32>
    %add3A_16 = vector.broadcast %custom_jvp_call3A : f32 to vector<512x64xf32>
    %add3A_17 = arith.addf %slice3A_13, %add3A_16 : vector<512x64xf32>
    %abs3A = math.absf %sub3A_15 : vector<512x64xf32>
    %neg3A = arith.constant 0.000000e+00 : f32
    %neg3A_18 = vector.broadcast %neg3A : f32 to vector<512x64xf32>
    %neg3A_19 = arith.subf %neg3A_18, %abs3A : vector<512x64xf32>
    %exp3A = math.exp %neg3A_19 : vector<512x64xf32>
    %log1p3A = math.log1p %exp3A : vector<512x64xf32>
    %add3A_20 = arith.addf %max3A_14, %log1p3A : vector<512x64xf32>
    %select_n3A = arith.select %ne3A, %add3A_17, %add3A_20 : vector<512x64xi1>, vector<512x64xf32>
    %mul3A = arith.mulf %get3A_12, %select_n3A : vector<512x64xf32>
    %add3A_21 = arith.addf %slice3A, %mul3A : vector<512x64xf32>
    %swap3A = arith.constant 0 : index
    %swap3A_22 = arith.constant 0 : index
    %swap3A_23 = vector.load %arg5[%swap3A, %swap3A_22] : memref<512x64xf32, #tpu.memory_space<vmem>>, vector<512x64xf32>
    tpu.vector_store %arg5[%swap3A, %swap3A_22], %add3A_21 {strides = array<i32>} : memref<512x64xf32, #tpu.memory_space<vmem>>, vector<512x64xf32>,
    return
  }
  func.func @transform_0(%arg0: i32) -> (i32, i32) {
    %c0_i32 = arith.constant 0 : i32
    %c0_i32_0 = arith.constant 0 : i32
    return %arg0, %c0_i32 : i32, i32
  }
  func.func @transform_1(%arg0: i32) -> (i32, i32) {
    %c0_i32 = arith.constant 0 : i32
    %c0_i32_0 = arith.constant 0 : i32
    %c0_i32_1 = arith.constant 0 : i32
    return %c0_i32, %c0_i32_0 : i32, i32
  }
  func.func @transform_2(%arg0: i32) -> (i32, i32) {
    %c0_i32 = arith.constant 0 : i32
    %c0_i32_0 = arith.constant 0 : i32
    %c0_i32_1 = arith.constant 0 : i32
    return %c0_i32, %c0_i32_0 : i32, i32
  }
  func.func @transform_3(%arg0: i32) -> (i32, i32) {
    %c0_i32 = arith.constant 0 : i32
    %c0_i32_0 = arith.constant 0 : i32
    return %arg0, %c0_i32 : i32, i32
  }
  func.func @transform_4(%arg0: i32) -> (i32, i32) {
    %c0_i32 = arith.constant 0 : i32
    %c0_i32_0 = arith.constant 0 : i32
    return %arg0, %c0_i32 : i32, i32
  }
}

</mosaic_0001>

<sc_bundles>
// kernel: kernel.4.cloned.1.call-start
scs
__scs_entry_jumppad:
0x0: {  	(pc) =	sbr.rel $0x88, $3  }
0x1: {  	(tag) =	ssettag $0x0;
	lr =	simm.s32 $0x1  }
0x2: {  	[smem:$0x3F9C] =	sst lr;
	_ =	strace $0xD0000000  }
0x3: {  	_ = 	snop  }
0x4: {  	_ = 	snop  }
0x5: {  	_ = 	snop  }
0x6: {  	_ = 	snop  }
0x7: {  	_ = 	snop  }
__scs_overlays_trampoline_lowered:
0x8: {  	[smem:$0x3FAB] =	sst s0  }
0x9: {  	[smem:$0x3FAC] =	sst s1  }
0xa: {  	[smem:$0x3FAD] =	sst s2  }
0xb: {  	[smem:$0x3FAE] =	sst s3  }
0xc: {  	[smem:$0x3FAF] =	sst s4  }
0xd: {  	[smem:$0x3FB0] =	sst s5  }
0xe: {  	[smem:$0x3FB1] =	sst s6  }
0xf: {  	[smem:$0x3FB2] =	sst s7  }
0x10: {  	[smem:$0x3FB3] =	sst s8  }
0x11: {  	[smem:$0x3FB4] =	sst s9;
	s0 =	simm.s32 @!p0 $0x0  }
0x12: {  	s1 =	sld [smem:$0x3F9A];
	s0 =	simm.s32 @p0 $0x1  }
0x13: {  	[smem:$0x3FB5] =	sst s0;
	s0 =	simm.s32 @!p1 $0x0  }
0x14: {  	s2 =	sld [smem:$0x3F99];
	s0 =	simm.s32 @p1 $0x1  }
0x15: {  	[smem:$0x3FB6] =	sst s0;
	s0 =	simm.s32 @!p2 $0x0  }
0x16: {  	s3 =	sld [smem:$0x3FDB];
	s0 =	simm.s32 @p2 $0x1  }
0x17: {  	s4 =	simm.s32 $0x1BF5;
	[smem:$0x3FB8] =	sst s0  }
0x18: {  	s0 =	sld [smem:$0x3F9B];
	_ =	swait.ge [sflag:s4], $0x0  }
0x19: {  	s7 =	sld [smem:$0x3F9C]  }
0x1a: {  	s8 =	sadd.s32 $0xFFFFE003, lr  }
0x1b: {  	s9 =	sadd.s32 $0xFFFFFEF7, lr;
	s5 =	simm.s32 $0xFFFFFFFF;
	p2 =	slt.u32 s8, $0xFFFFF086  }
0x1c: {  	p1 =	slt.u32 s9, $0xF7A;
	s5 =	simm.s32 @!p2 $0x0  }
0x1d: {  	s5 =	simm.s32 @p1 $0x1;
	p0 =	seq.s32 s7, s2  }
0x1e: {  	s7 =	smul.u32 @!p0 $0xF7A, s2;
	p2 =	seq.s32 @!p0 s5, $0x0  }
0x1f: {  	s9 =	smul.u32 $0xF7A, s1;
	s8 =	simm.s32 @!p0 $0x1BF5;
	p2 =	por !p2, p0  }
0x20: {  	[sflag:s8] =	ssyncset.s32 @!p0 $0xFFFFF086;
	s6 =	sadd.s32 @!p0 s3, s7;
	s7 =	simm.s32 @!p0 $0x108  }
0x21: {  	s3 =	sadd.s32 s3, s9;
	s6 =	sadd.s32 @!p0 $0x88, s6;
	s7 =	simm.s32 @p2 $0x1082  }
0x22: {  	[simem:s7], [sflag:s8] =	dma.local @!p0 [hbm:s6], $0xF7A  }
0x23: {  	s9 =	sor.u32 $0xD0000000, s2;
	s6 =	simm.s32 $0x108;
	_ =	swait.ge @!p0 [sflag:s8], $0x0  }
0x24: {  	s3 =	sadd.s32 $0x88, s3;
	s6 =	simm.s32 @!p1 $0x1082;
	[sflag:s4] =	ssyncset.s32 $0xFFFFF086  }
0x25: {  	[simem:s6], [sflag:s4] =	dma.local [hbm:s3], $0xF7A  }
0x26: {  	[smem:$0x3F9C] =	sst s1;
	(tag) =	ssettag s2;
	_ =	strace s9  }
0x27: {  	s1 =	sld [smem:$0x3FAC]  }
0x28: {  	s2 =	sld [smem:$0x3FAD]  }
0x29: {  	s4 =	sld [smem:$0x3FAF]  }
0x2a: {  	p0 =	seq.s32 s5, $0x0;
	s5 =	sld [smem:$0x3FB0]  }
0x2b: {  	s6 =	sld [smem:$0x3FB1]  }
0x2c: {  	s7 =	sld [smem:$0x3FB2]  }
0x2d: {  	s3 =	simm.s32 $0x108;
	s8 =	sld [smem:$0x3FB3]  }
0x2e: {  	s3 =	simm.s32 @!p0 $0x1082;
	s9 =	sld [smem:$0x3FB4]  }
0x2f: {  	lr =	sadd.s32 s0, s3;
	s0 =	sld [smem:$0x3FAB]  }
0x30: {  	s3 =	sld [smem:$0x3FAE]  }
0x31: {  	[smem:$0x3FB7] =	sst s10  }
0x32: {  	s10 =	sld [smem:$0x3FB5];
	_ =	sdelay $0x3  }
0x33: {  	p0 =	seq.s32 s10, $0x1;
	s10 =	sld [smem:$0x3FB7];
	_ =	sdelay $0x3  }
0x34: {  	[smem:$0x3FB7] =	sst s10  }
0x35: {  	s10 =	sld [smem:$0x3FB6];
	_ =	sdelay $0x3  }
0x36: {  	p1 =	seq.s32 s10, $0x1;
	s10 =	sld [smem:$0x3FB7];
	_ =	sdelay $0x3  }
0x37: {  	[smem:$0x3FB7] =	sst s10  }
0x38: {  	s10 =	sld [smem:$0x3FB8]  }
0x39: {  	_ = 	snop;
	(pc) =	sbr.ind lr, $3  }
0x3a: {  	_ = 	snop  }
0x3b: {  	_ = 	snop  }
0x3c: {  	p2 =	seq.s32 s10, $0x1;
	s10 =	sld [smem:$0x3FB7]  }
0x3d: {  	_ =	shalt  }
0x3e: {  	_ =	shalt  }
0x3f: {  	_ =	shalt  }
0x40: {  	_ =	shalt  }
0x41: {  	_ =	shalt  }
0x42: {  	_ =	shalt  }
0x43: {  	_ =	shalt  }
0x44: {  	_ =	shalt  }
0x45: {  	_ =	shalt  }
0x46: {  	_ =	shalt  }
0x47: {  	_ =	shalt  }
0x48: {  	_ =	shalt  }
0x49: {  	_ =	shalt  }
0x4a: {  	_ =	shalt  }
0x4b: {  	_ =	shalt  }
0x4c: {  	_ =	shalt  }
0x4d: {  	_ =	shalt  }
0x4e: {  	_ =	shalt  }
0x4f: {  	_ =	shalt  }
0x50: {  	_ =	shalt  }
0x51: {  	_ =	shalt  }
0x52: {  	_ =	shalt  }
0x53: {  	_ =	shalt  }
0x54: {  	_ =	shalt  }
0x55: {  	_ =	shalt  }
0x56: {  	_ =	shalt  }
0x57: {  	_ =	shalt  }
0x58: {  	_ =	shalt  }
0x59: {  	_ =	shalt  }
0x5a: {  	_ =	shalt  }
0x5b: {  	_ =	shalt  }
0x5c: {  	_ =	shalt  }
0x5d: {  	_ =	shalt  }
0x5e: {  	_ =	shalt  }
0x5f: {  	_ =	shalt  }
0x60: {  	_ =	shalt  }
0x61: {  	_ =	shalt  }
0x62: {  	_ =	shalt  }
0x63: {  	_ =	shalt  }
0x64: {  	_ =	shalt  }
0x65: {  	_ =	shalt  }
0x66: {  	_ =	shalt  }
0x67: {  	_ =	shalt  }
0x68: {  	_ =	shalt  }
0x69: {  	_ =	shalt  }
0x6a: {  	_ =	shalt  }
0x6b: {  	_ =	shalt  }
0x6c: {  	_ =	shalt  }
0x6d: {  	_ =	shalt  }
0x6e: {  	_ =	shalt  }
0x6f: {  	_ =	shalt  }
0x70: {  	_ =	shalt  }
0x71: {  	_ =	shalt  }
0x72: {  	_ =	shalt  }
0x73: {  	_ =	shalt  }
0x74: {  	_ =	shalt  }
0x75: {  	_ =	shalt  }
0x76: {  	_ =	shalt  }
0x77: {  	_ =	shalt  }
0x78: {  	_ =	shalt  }
0x79: {  	_ =	shalt  }
0x7a: {  	_ =	shalt  }
0x7b: {  	_ =	shalt  }
0x7c: {  	_ =	shalt  }
0x7d: {  	_ =	shalt  }
0x7e: {  	_ =	shalt  }
0x7f: {  	_ =	shalt  }
0x80: {  	_ =	shalt  }
0x81: {  	_ =	shalt  }
0x82: {  	_ =	shalt  }
0x83: {  	_ =	shalt  }
0x84: {  	_ =	shalt  }
0x85: {  	_ =	shalt  }
0x86: {  	_ =	shalt  }
0x87: {  	_ =	shalt  }
.Lfunc_end0:
.L_simem_size_0:
called_computation_lowered:
.L_overlay_start_0:
0x88: {  	s2 =	sld [smem:$0x3FD9]  }
0x89: {  	s3 =	sld [smem:$0x3FFE];
	_ =	sdelay $0x1  }
0x8a: {  	s1 =	srdreg.scid  }
0x8b: {  	s0 =	sand.u32 $0x1, s1  }
0x8c: {  	s14 =	sshll.u32 s0, $0xA;
	s2 =	sadd.s32 s3, s2  }
0x8d: {  	s2 =	sadd.s32 s2, s14  }
0x8e: {  	[smem:$0x3FC3] =	sst s2  }
0x8f: {  	_ = 	snop  }
0x90: {  	s2 =	sld [smem:$0x3FD0];
	_ =	sdelay $0x2  }
0x91: {  	s15 =	simm.s32 $0xA;
	s4 =	simm.s32 $0x10  }
0x92: {  	[smem:s4], [sflag:s15] =	dma.local [hbm:s2], $0x1  }
0x93: {  	_ =	swait.eq [sflag:s15], $0x1  }
0x94: {  	[sflag:s15] =	ssyncset.done $0x0  }
0x95: {  	s16 =	sld [smem:$0x10];
	[sflag:s15] =	ssyncadd.s32 $0xFFFFFFFF  }
0x96: {  	s17 =	sld [smem:$0x11];
	(tm) =	ssettm $0x1  }
0x97: {  	s18 =	sld [smem:$0x3FFB];
	_ =	sdelay $0x3  }
0x98: {  	_ =	strace s18  }
0x99: {  	s4 =	sld [smem:$0x3FFC];
	_ =	sdelay $0x3  }
0x9a: {  	_ =	strace s4  }
0x9b: {  	s4 =	sld [smem:$0x3FFD];
	_ =	sdelay $0x3  }
0x9c: {  	_ =	strace s4  }
0x9d: {  	_ =	strace $0x8FFFFFFF  }
0x9e: {  	s19 =	sld [smem:$0x3FDB];
	_ =	sdelay $0x1  }
0x9f: {  	s5 =	simm.s32 $_scs_section_size  }
0xa0: {  	s6 =	simm.s32 $_size__tile_overlayer_lowered;
	s7 =	simm.s32 $_tile_overlayer_lowered  }
0xa1: {  	s22 =	simm.s32 $0x1BFF;
	s21 =	sshll.u32 s7, $0x1;
	s4 =	sadd.s32 s5, s19  }
0xa2: {  	s8 =	simm.s32 $0x0;
	s20 =	sshll.u32 s6, $0x1;
	s6 =	sadd.s32 s21, s4  }
0xa3: {  	[timem:s8], [sflag:s22] =	dma.local [hbm:s6], s20  }
0xa4: {  	_ =	swait.ge [sflag:s22], s20  }
0xa5: {  	s5 =	ssub.s32 $0x0, s20;
	[sflag:s22] =	ssyncset.done $0x0  }
0xa6: {  	[sflag:s22] =	ssyncadd.s32 s5;
	_ =	sdelay $0x1  }
0xa7: {  	s23 =	simm.s32 $0x1B8B  }
0xa8: {  	_ =	swait.ge [sflag:s23], $0x1  }
0xa9: {  	[sflag:s23] =	ssyncset.done $0x0  }
0xaa: {  	s25 =	simm.s32 $0x1B8E;
	s24 =	sld [smem:$0x3FFE];
	[sflag:s23] =	ssyncadd.s32 $0xFFFFFFFF  }
0xab: {  	s26 =	simm.s32 $execute0_lowered;
	[smem:$0x3FD2] =	sst s25  }
0xac: {  	s6 =	sshll.u32 s26, $0x1;
	_ =	strace $0x80000046;
	[dreg:$0x1] =	wrdreg $0xFFFFFFFF  }
0xad: {  	s28 =	simm.s32 $_size_execute0_lowered;
	s4 =	sadd.s32 s4, s6;
	[dreg:$0x0] =	wrdreg $0x0  }
0xae: {  	s6 =	sshll.u32 s28, $0x1;
	[dreg:$0x2] =	wrdreg s4  }
0xaf: {  	[dreg:$0x3] =	wrdreg s6  }
0xb0: {  	[dreg:$0x4] =	wrdreg $0xC0  }
0xb1: {  	_ =	task [dreg:s8], $0x5FFFF  }
0xb2: {  	[dreg:$0x1] =	wrdreg $0xFFFFFFFF  }
0xb3: {  	[dreg:$0x0] =	wrdreg $0x60  }
0xb4: {  	[dreg:$0x2] =	wrdreg s16  }
0xb5: {  	[dreg:$0x3] =	wrdreg s24  }
0xb6: {  	[dreg:$0x4] =	wrdreg s17  }
0xb7: {  	[dreg:$0x5] =	wrdreg $0x9  }
0xb8: {  	_ =	task.clear_ibuf [dreg:s8], $0x6FFFF;
	_ =	strace $0x90000046  }
0xb9: {  	s29 =	simm.s32 $0x9;
	_ =	strace $0x80000048  }
0xba: {  	_ =	swait.ge [sflag:s29], $0x1  }
0xbb: {  	[sflag:s29] =	ssyncadd.s32 $0xFFFFFFFF  }
0xbc: {  	_ =	strace $0x90000048  }
0xbd: {  	_ =	sfence  }
0xbe: {  	s30 =	sld [smem:$0x0];
	_ =	sdelay $0x2  }
0xbf: {  	s31 =	sshll.u32 s1, $0xD;
	s1 =	sshrl.u32 s1, $0x2  }
0xc0: {  	s3 =	sand.u32 $0x4000, s31;
	s1 =	sadd.s32 s1, s30  }
0xc1: {  	s0 =	sor.u32 s3, s0;
	s1 =	sshll.u32 s1, $0x11  }
0xc2: {  	s0 =	sor.u32 s1, s0  }
0xc3: {  	s0 =	sadd.s32 $0x8F2B, s0  }
0xc4: {  	[sflag:s0] =	ssyncadd.remote.s32 $0x1  }
0xc5: {  	_ =	sfence.sel $0xFFFF  }
0xc6: {  	[dreg:$0x0] =	wrdreg $0xFFFFFFFF;
	(pc) =	sbr.abs _section_cstart, $3  }
0xc7: {  	[dreg:$0x1] =	wrdreg $0xFFFFFFFF  }
0xc8: {  	_ =	task.clear_ibuf [dreg:s8], $0x2FFFF;
	_ =	strace $0x9FFFFFFF  }
0xc9: {  	(tm) =	ssettm $0x7FFFFFFF  }
tec
execute0_lowered:
.L_overlay_start_1:
0x0: {  	(tag) =	ssettag $0x1  }
0x1: {  	s3 =	rddreg [dreg:$0x0]  }
0x2: {  	s4 =	rddreg [dreg:$0x1]  }
0x3: {  	s5 =	rddreg [dreg:$0x2]  }
0x4: {  	s2 =	srdreg.scid;
	s0 =	stileid.u32;
	s10 =	simm.s32 $0x0  }
0x5: {  	s6 =	sand.u32 $0x1, s2;
	s7 =	sshll.u32 s0, $0x1;
	s2 =	simm.s32 $0x0  }
0x6: {  	s7 =	sor.u32 s6, s7;
	s6 =	ssub.s32 $0x2, s6;
	[smem:$0x7FF] =	sst s2  }
0x7: {  	s8 =	sshll.u32 s7, $0xC;
	s9 =	sshrl.u32 s6, $0x1;
	_ =	strace $0x80000047  }
0x8: {  	s7 =	sshll.u32 s7, $0x9;
	s4 =	sadd.s32 s8, s4;
	s6 =	ssub.s32 s6, s9  }
0x9: {  	v0 =	vlaneseq.u32;
	s30 =	sadd.s32 s3, s8;
	s5 =	sadd.s32 s5, s7;
	s7 =	simm.s32 $0x1  }
0xa: {  	v1 =	vimm.f32 $0.0e+00;
	vm0 =	vmmov $0xff;
	v50 =	vand.u32 $0x7, v0;
	s8 =	simm.s32 $0x8000;
	[dreg:$0x4] =	wrdreg s30;
	s31 =	sadd.s32 $0xC00, s4  }
0xb: {  	v2 =	vor.u32 $0x10, v0;
	v3 =	vor.u32 $0x20, v0;
	v4 =	vor.u32 $0x30, v0;
	[tilespmem:$0x1FFF0] =	vst v50;
	s9 =	simm.s32 $0x10000;
	s6 =	smax.u32 s6, $0x1;
	[dreg:$0x5] =	wrdreg s31  }
.LBB2_1:
0xc: {  	s0 =	rddreg [dreg:$0x4]  }
0xd: {  	[tilespmem:s2], [sflag:$0x1] =	stream.linear.gather [hbm4b:s0+s2], $0x8000, $0x38;
	[tilespmem:$0x11000] =	vst v63  }
0xe: {  	_ =	swait.ge [sflag:s7], $0x8000  }
0xf: {  	[sflag:s7] =	ssyncset.done $0x0  }
0x10: {  	s14 =	simm.s32 $0x8100;
	[sflag:s7] =	ssyncadd.s32 $0xFFFF8000  }
0x11: {  	[tilespmem:s14+$0xFFFFFF00] =	vst v1  }
0x12: {  	[tilespmem:s14+$0xF0] =	vst v1  }
0x13: {  	[tilespmem:s14+$0xE0] =	vst v1  }
0x14: {  	[tilespmem:s14+$0xD0] =	vst v1  }
0x15: {  	[tilespmem:s14+$0xC0] =	vst v1  }
0x16: {  	[tilespmem:s14+$0xB0] =	vst v1  }
0x17: {  	[tilespmem:s14+$0xA0] =	vst v1  }
0x18: {  	[tilespmem:s14+$0x90] =	vst v1  }
0x19: {  	[tilespmem:s14+$0x80] =	vst v1  }
0x1a: {  	[tilespmem:s14+$0x70] =	vst v1  }
0x1b: {  	[tilespmem:s14+$0x60] =	vst v1  }
0x1c: {  	[tilespmem:s14+$0x50] =	vst v1  }
0x1d: {  	[tilespmem:s14+$0x40] =	vst v1  }
0x1e: {  	[tilespmem:s14+$0x30] =	vst v1  }
0x1f: {  	[tilespmem:s14+$0x20] =	vst v1  }
0x20: {  	[tilespmem:s14+$0x10] =	vst v1  }
0x21: {  	[tilespmem:s14+$0x0] =	vst v1  }
0x22: {  	[tilespmem:s14+$0xFFFFFFF0] =	vst v1  }
0x23: {  	[tilespmem:s14+$0xFFFFFFE0] =	vst v1  }
0x24: {  	[tilespmem:s14+$0xFFFFFFD0] =	vst v1  }
0x25: {  	[tilespmem:s14+$0xFFFFFFC0] =	vst v1  }
0x26: {  	[tilespmem:s14+$0xFFFFFFB0] =	vst v1  }
0x27: {  	[tilespmem:s14+$0xFFFFFFA0] =	vst v1  }
0x28: {  	[tilespmem:s14+$0xFFFFFF90] =	vst v1  }
0x29: {  	[tilespmem:s14+$0xFFFFFF80] =	vst v1  }
0x2a: {  	[tilespmem:s14+$0xFFFFFF70] =	vst v1  }
0x2b: {  	[tilespmem:s14+$0xFFFFFF60] =	vst v1  }
0x2c: {  	[tilespmem:s14+$0xFFFFFF50] =	vst v1  }
0x2d: {  	[tilespmem:s14+$0xFFFFFF40] =	vst v1  }
0x2e: {  	s15 =	simm.s32 $0x0;
	[tilespmem:s14+$0xFFFFFF30] =	vst v1  }
0x2f: {  	s12 =	simm.s32 $0x38;
	s13 =	simm.s32 $0x1C0;
	s11 =	simm.s32 $0x100;
	[tilespmem:s14+$0xFFFFFF20] =	vst v1  }
.LBB2_2:
0x30: {  	s15 =	sadd.s32 $0x20, s15;
	[tilespmem:s14+$0xFFFFFF10] =	vst v1;
	s14 =	sadd.s32 $0x200, s14  }
0x31: {  	[tilespmem:s14+$0xFFFFFF00] =	vst v1;
	p0 =	slt.u32 s15, $0x7E0  }
0x32: {  	[tilespmem:s14+$0xF0] =	vst v1  }
0x33: {  	[tilespmem:s14+$0xE0] =	vst v1  }
0x34: {  	[tilespmem:s14+$0xD0] =	vst v1  }
0x35: {  	[tilespmem:s14+$0xC0] =	vst v1  }
0x36: {  	[tilespmem:s14+$0xB0] =	vst v1  }
0x37: {  	[tilespmem:s14+$0xA0] =	vst v1  }
0x38: {  	[tilespmem:s14+$0x90] =	vst v1  }
0x39: {  	[tilespmem:s14+$0x80] =	vst v1  }
0x3a: {  	[tilespmem:s14+$0x70] =	vst v1  }
0x3b: {  	[tilespmem:s14+$0x60] =	vst v1  }
0x3c: {  	[tilespmem:s14+$0x50] =	vst v1  }
0x3d: {  	[tilespmem:s14+$0x40] =	vst v1  }
0x3e: {  	[tilespmem:s14+$0x30] =	vst v1  }
0x3f: {  	[tilespmem:s14+$0x20] =	vst v1  }
0x40: {  	[tilespmem:s14+$0x10] =	vst v1  }
0x41: {  	[tilespmem:s14+$0x0] =	vst v1  }
0x42: {  	[tilespmem:s14+$0xFFFFFFF0] =	vst v1  }
0x43: {  	[tilespmem:s14+$0xFFFFFFE0] =	vst v1  }
0x44: {  	[tilespmem:s14+$0xFFFFFFD0] =	vst v1  }
0x45: {  	[tilespmem:s14+$0xFFFFFFC0] =	vst v1  }
0x46: {  	[tilespmem:s14+$0xFFFFFFB0] =	vst v1  }
0x47: {  	[tilespmem:s14+$0xFFFFFFA0] =	vst v1  }
0x48: {  	[tilespmem:s14+$0xFFFFFF90] =	vst v1  }
0x49: {  	[tilespmem:s14+$0xFFFFFF80] =	vst v1  }
0x4a: {  	[tilespmem:s14+$0xFFFFFF70] =	vst v1  }
.Ltmp0:
0x4b: {  	[tilespmem:s14+$0xFFFFFF60] =	vst v1;
	(pc) =	sbr.rel @p0 .LBB2_2-.Ltmp0, $4  }
0x4c: {  	[tilespmem:s14+$0xFFFFFF50] =	vst v1  }
0x4d: {  	[tilespmem:s14+$0xFFFFFF40] =	vst v1  }
0x4e: {  	[tilespmem:s14+$0xFFFFFF30] =	vst v1  }
0x4f: {  	[tilespmem:s14+$0xFFFFFF20] =	vst v1  }
0x50: {  	[tilespmem:s14+$0xFFFFFF10] =	vst v1;
	s14 =	simm.s32 $0x140  }
0x51: {  	v6 =	vld [tilespmem:s11+$0x40];
	s15 =	sor.u32 $0x50, s14  }
0x52: {  	s16 =	sor.u32 $0x60, s14;
	v7 =	vld [tilespmem:s15+$0x0]  }
0x53: {  	s1 =	sor.u32 $0x70, s14;
	v8 =	vld [tilespmem:s16+$0x0]  }
0x54: {  	s15 =	simm.s32 $0x40;
	v9 =	vld [tilespmem:s1+$0x0]  }
0x55: {  	s17 =	sor.u32 $0x50, s15  }
0x56: {  	s18 =	sor.u32 $0x60, s15;
	v10 =	vld [tilespmem:s17+$0x0];
	(xrf1) =	vsort.dscd.msk.f32 $0xffff, v6, v0  }
0x57: {  	s3 =	simm.s32 $0xC0;
	s4 =	sor.u32 $0x70, s15;
	v11 =	vld [tilespmem:s18+$0x0];
	(xrf1) =	vsort.ascd.msk.f32 $0xffff, v7, v2  }
0x58: {  	s19 =	sor.u32 $0x50, s3;
	v59 =	vld [tilespmem:s4+$0x0];
	(xrf1) =	vsort.dscd.msk.f32 $0xffff, v8, v3  }
0x59: {  	s20 =	sor.u32 $0x60, s3;
	v60 =	vld [tilespmem:s19+$0x0];
	(xrf1) =	vsort.ascd.msk.f32 $0xffff, v9, v4  }
0x5a: {  	s21 =	sor.u32 $0x70, s3;
	v61 =	vld [tilespmem:s20+$0x0]  }
0x5b: {  	v62 =	vld [tilespmem:s21+$0x0];
	(xrf1) =	vsort.ascd.msk.f32 $0xffff, v10, v2  }
0x5c: {  	v63 =	vld [tilespmem:s11+$0xFFFFFF00];
	(xrf1) =	vsort.dscd.msk.f32 $0xffff, v11, v3  }
0x5d: {  	v32 =	vld [tilespmem:s11+$0xFFFFFF10];
	(xrf1) =	vsort.ascd.msk.f32 $0xffff, v59, v4  }
0x5e: {  	v33 =	vld [tilespmem:s11+$0xFFFFFF20];
	(xrf1) =	vsort.ascd.msk.f32 $0xffff, v60, v2  }
0x5f: {  	v34 =	vld [tilespmem:s11+$0xFFFFFF30];
	(xrf1) =	vsort.dscd.msk.f32 $0xffff, v61, v3  }
0x60: {  	v35 =	vld [tilespmem:s11+$0xFFFFFF40];
	(xrf1) =	vsort.ascd.msk.f32 $0xffff, v62, v4  }
0x61: {  	v36 =	vld [tilespmem:s11+$0xFFFFFF80];
	(xrf1) =	vsort.dscd.msk.f32 $0xffff, v63, v0  }
0x62: {  	(xrf1) =	vsort.ascd.msk.f32 $0xffff, v32, v2  }
0x63: {  	v37 =	vld [tilespmem:s11+$0xFFFFFF90];
	(xrf1) =	vsort.dscd.msk.f32 $0xffff, v33, v3  }
0x64: {  	v38 =	vld [tilespmem:s11+$0xFFFFFFA0];
	(xrf1) =	vsort.ascd.msk.f32 $0xffff, v34, v4;
	v41, v40, _ =	vpop (xrf1)  }
0x65: {  	v39 =	vld [tilespmem:s11+$0xFFFFFFB0];
	(xrf1) =	vsort.dscd.msk.f32 $0xffff, v35, v0;
	v42, v13, _ =	vpop (xrf1)  }
0x66: {  	v12 =	vld [tilespmem:s11+$0xFFFFFFC0];
	(xrf1) =	vsort.dscd.msk.f32 $0xffff, v36, v0;
	v43, v14, _ =	vpop (xrf1)  }
0x67: {  	vm1 =	vgt.f32 v42, v41;
	vm2 =	veq.f32 v42, v41;
	vm3 =	vlt.s32 v13, v40;
	v15, v16, _ =	vpop (xrf1)  }
0x68: {  	(xrf1) =	vsort.ascd.msk.f32 $0xffff, v37, v2;
	vm2 =	vmand vm2, vm3;
	vm3 =	veq.f32 v15, v43;
	vm4 =	vlt.s32 v16, v14  }
0x69: {  	(xrf1) =	vsort.dscd.msk.f32 $0xffff, v38, v3;
	vm1 =	vmor vm1, vm2;
	vm2 =	vgt.f32 v15, v43;
	vm3 =	vmand vm3, vm4  }
0x6a: {  	v44, v17, _ =	vpop (xrf1);
	(xrf1) =	vsort.ascd.msk.f32 $0xffff, v39, v4;
	v8 =	vsel vm1, v42, v41;
	v46 =	vsel vm1, v13, v40;
	vm1 =	vmor vm2, vm3  }
0x6b: {  	v45, v18, _ =	vpop (xrf1);
	(xrf1) =	vsort.dscd.msk.f32 $0xffff, v12, v0;
	v14 =	vsel vm1, v16, v14  }
0x6c: {  	v47 =	vld [tilespmem:s11+$0x0];
	v12, v13, _ =	vpop (xrf1);
	(xrf1) =	vsort.dscd.msk.f32 $0xffff, v8, v46;
	v10 =	vsel vm1, v15, v43  }
0x6d: {  	v48 =	vld [tilespmem:s11+$0x10];
	v49, v15, _ =	vpop (xrf1);
	(xrf1) =	vsort.ascd.msk.f32 $0xffff, v10, v14  }
0x6e: {  	v51 =	vld [tilespmem:s11+$0x20];
	v14, v16, _ =	vpop (xrf1)  }
0x6f: {  	v19 =	vld [tilespmem:s11+$0x30];
	v20, v21, _ =	vpop (xrf1)  }
0x70: {  	v22 =	vld [tilespmem:s11+$0x80];
	vm1 =	veq.f32 v12, v45;
	vm2 =	vlt.s32 v13, v18;
	v23, v24, _ =	vpop (xrf1)  }
0x71: {  	v25 =	vld [tilespmem:s11+$0x90];
	vm3 =	vgt.f32 v12, v45;
	vm1 =	vmand vm1, vm2;
	(xrf1) =	vsort.dscd.msk.f32 $0xffff, v47, v0;
	v52, v26, _ =	vpop (xrf1)  }
0x72: {  	v27 =	vld [tilespmem:s11+$0xA0];
	vm2 =	vmor vm3, vm1;
	(xrf1) =	vsort.ascd.msk.f32 $0xffff, v48, v2;
	v53, v28, _ =	vpop (xrf1)  }
0x73: {  	s22 =	sor.u32 $0x50, s13;
	v29 =	vld [tilespmem:s11+$0xB0];
	v7 =	vsel vm2, v12, v45;
	(xrf1) =	vsort.dscd.msk.f32 $0xffff, v51, v3;
	v54, v30, _ =	vpop (xrf1)  }
0x74: {  	v31 =	vld [tilespmem:s22+$0x0];
	vm1 =	veq.f32 v20, v14;
	vm3 =	vlt.s32 v21, v16;
	(xrf1) =	vsort.ascd.msk.f32 $0xffff, v19, v4;
	v12, v19, _ =	vpop (xrf1)  }
0x75: {  	s23 =	sor.u32 $0x60, s13;
	v13 =	vsel vm2, v13, v18;
	vm14 =	vgt.f32 v20, v14;
	(xrf1) =	vsort.dscd.msk.f32 $0xffff, v22, v0;
	vm1 =	vmand vm1, vm3;
	v22, v33, _ =	vpop (xrf1)  }
0x76: {  	s24 =	sor.u32 $0x70, s13;
	v32 =	vld [tilespmem:s23+$0x0];
	vm5 =	veq.f32 v52, v23;
	vm3 =	vlt.s32 v26, v24;
	(xrf1) =	vsort.ascd.msk.f32 $0xffff, v25, v2;
	vm1 =	vmor vm14, vm1;
	v25, v35, _ =	vpop (xrf1)  }
0x77: {  	v34 =	vld [tilespmem:s24+$0x0];
	vm6 =	vgt.f32 v52, v23;
	v14 =	vsel vm1, v20, v14;
	(xrf1) =	vsort.dscd.msk.f32 $0xffff, v27, v3;
	v18, v27, _ =	vpop (xrf1)  }
0x78: {  	v36 =	vld [tilespmem:s11+$0xC0];
	vm2 =	vmand vm5, vm3;
	vm3 =	veq.f32 v44, v12;
	vm15 =	vlt.s32 v17, v19;
	(xrf1) =	vsort.ascd.msk.f32 $0xffff, v29, v4;
	v29, v37, _ =	vpop (xrf1)  }
0x79: {  	v16 =	vsel vm1, v21, v16;
	vm8 =	vgt.f32 v44, v12;
	vm3 =	vmand vm3, vm15;
	(xrf1) =	vsort.ascd.msk.f32 $0xffff, v31, v2;
	v31, v38, _ =	vpop (xrf1)  }
0x7a: {  	vm4 =	veq.f32 v54, v53;
	vm7 =	vlt.s32 v30, v28;
	vm3 =	vmor vm8, vm3;
	v55, v39, _ =	vpop (xrf1)  }
0x7b: {  	vm12 =	vgt.f32 v54, v53;
	vm2 =	vmor vm6, vm2;
	v6 =	vsel vm3, v44, v12;
	(xrf1) =	vsort.dscd.msk.f32 $0xffff, v32, v3;
	v12, v56, _ =	vpop (xrf1)  }
0x7c: {  	vm4 =	vmand vm4, vm7;
	(xrf1) =	vsort.ascd.msk.f32 $0xffff, v34, v4;
	vm15 =	veq.f32 v12, v55;
	vm9 =	vlt.s32 v56, v39  }
0x7d: {  	v17 =	vsel vm3, v17, v19;
	(xrf1) =	vsort.dscd.msk.f32 $0xffff, v36, v0;
	vm10 =	vgt.f32 v12, v55;
	vm7 =	vmand vm15, vm9  }
0x7e: {  	v11 =	vsel vm2, v52, v23;
	vm13 =	veq.f32 v25, v22;
	(xrf1) =	vsort.dscd.msk.f32 $0xffff, v6, v17;
	vm11 =	vmor vm10, vm7  }
0x7f: {  	vm14 =	vlt.s32 v35, v33;
	vm3 =	vmor vm12, vm4;
	(xrf1) =	vsort.ascd.msk.f32 $0xffff, v7, v13;
	v13 =	vsel vm11, v56, v39  }
0x80: {  	vm5 =	veq.f32 v29, v18;
	v8 =	vsel vm3, v54, v53;
	v12 =	vsel vm11, v12, v55  }
0x81: {  	vm6 =	vmand vm13, vm14;
	v5 =	vsel vm3, v30, v28;
	vm12 =	vgt.f32 v49, v31;
	v57, v58, _ =	vpop (xrf1);
	(xrf1) =	vsort.dscd.msk.f32 $0xffff, v12, v13  }
0x82: {  	vm13 =	veq.f32 v49, v31;
	vm14 =	vlt.s32 v15, v38;
	vm9 =	vgt.f32 v25, v22;
	v17, v19, _ =	vpop (xrf1)  }
0x83: {  	vm15 =	vgt.f32 v29, v18;
	vm4 =	vmor vm9, vm6;
	vm6 =	vlt.s32 v37, v27;
	v12, v13, _ =	vpop (xrf1)  }
0x84: {  	vm10 =	vgt.f32 v17, v57;
	vm5 =	vmand vm5, vm6;
	vm11 =	vmand vm13, vm14;
	v59, v60, _ =	vpop (xrf1)  }
0x85: {  	vm13 =	vlt.s32 v19, v58;
	vm6 =	vmor vm12, vm11;
	vm12 =	veq.f32 v17, v57;
	v61, v62, _ =	vpop (xrf1)  }
0x86: {  	v22 =	vsel vm4, v25, v22;
	vm5 =	vmor vm15, vm5;
	vm7 =	vmand vm12, vm13;
	v40, v41, _ =	vpop (xrf1)  }
0x87: {  	v9 =	vsel vm6, v49, v31;
	v15 =	vsel vm6, v15, v38;
	vm7 =	vmor vm10, vm7;
	v42, v43, _ =	vpop (xrf1)  }
0x88: {  	v49 =	vsel vm4, v35, v33;
	v51 =	vsel vm5, v37, v27;
	v6 =	vsel vm7, v17, v57;
	v44, v45, _ =	vpop (xrf1)  }
0x89: {  	v7 =	vsel vm7, v19, v58;
	(xrf1) =	vsort.dscd.msk.f32 $0xffff, v9, v15;
	vm14 =	veq.f32 v59, v12;
	v46, v47, _ =	vpop (xrf1)  }
0x8a: {  	vm15 =	vlt.s32 v60, v13;
	vm11 =	vgt.f32 v59, v12;
	(xrf1) =	vsort.ascd.msk.f32 $0xffff, v14, v16;
	v31, v48, _ =	vpop (xrf1)  }
0x8b: {  	vm9 =	vmand vm14, vm15;
	vm12 =	vgt.f32 v40, v61;
	v14 =	vsel vm2, v26, v24;
	v20, v63, _ =	vpop (xrf1)  }
0x8c: {  	vm13 =	veq.f32 v40, v61;
	vm14 =	vlt.s32 v41, v62;
	vm9 =	vmor vm11, vm9;
	(xrf1) =	vsort.dscd.msk.f32 $0xffff, v11, v14;
	v9, v15, _ =	vpop (xrf1)  }
0x8d: {  	v14 =	vsel vm5, v29, v18;
	v12 =	vsel vm9, v59, v12;
	v53 =	vsel vm9, v60, v13;
	v16, v21, _ =	vpop (xrf1)  }
0x8e: {  	vm11 =	vmand vm13, vm14;
	vm10 =	veq.f32 v44, v42;
	vm13 =	vlt.s32 v45, v43;
	(xrf1) =	vsort.ascd.msk.f32 $0xffff, v8, v5;
	v23, v24, _ =	vpop (xrf1)  }
0x8f: {  	vm8 =	vgt.f32 v44, v42;
	vm11 =	vmor vm12, vm11;
	vm3 =	vmand vm10, vm13;
	v18, v29, _ =	vpop (xrf1)  }
0x90: {  	(xrf1) =	vsort.dscd.msk.f32 $0xffff, v22, v49;
	v13 =	vsel vm11, v40, v61;
	v54 =	vsel vm11, v41, v62;
	v52 =	vmul.f32 $1.442695020e+00, v18  }
0x91: {  	vm3 =	vmor vm8, vm3;
	(xrf1) =	vsort.ascd.msk.f32 $0xffff, v14, v51;
	vm1 =	veq.f32 v20, v31;
	vm6 =	vlt.s32 v63, v48  }
0x92: {  	(xrf1) =	vsort.dscd.msk.f32 $0xffff, v6, v7;
	v55 =	vsel vm3, v44, v42;
	v56 =	vsel vm3, v45, v43;
	(erf) = vpow2.f32 v52  }
0x93: {  	vm3 =	vgt.f32 v20, v31;
	vm14 =	veq.f32 v46, v9;
	vm2 =	vlt.s32 v47, v15  }
0x94: {  	vm8 =	vgt.f32 v46, v9;
	(xrf1) =	vsort.ascd.msk.f32 $0xffff, v12, v53;
	vm1 =	vmand vm1, vm6;
	vm2 =	vmand vm14, vm2  }
0x95: {  	(xrf1) =	vsort.dscd.msk.f32 $0xffff, v13, v54;
	vm1 =	vmor vm3, vm1;
	vm2 =	vmor vm8, vm2  }
0x96: {  	vm9 =	veq.f32 v23, v16;
	vm10 =	vlt.s32 v24, v21;
	v9 =	vsel vm2, v46, v9  }
0x97: {  	(xrf1) =	vsort.ascd.msk.f32 $0xffff, v55, v56;
	v57 =	vsel vm2, v47, v15;
	vm2 =	vgt.f32 v23, v16;
	vm4 =	vmand vm9, vm10;
	v59, v58, _ =	vpop (xrf1)  }
0x98: {  	v60 =	vsel vm1, v20, v31;
	v61 =	vsel vm1, v63, v48;
	vm2 =	vmor vm2, vm4;
	v63, v13, _ =	vpop (xrf1)  }
0x99: {  	v62 =	vsel vm2, v23, v16;
	vm1 =	veq.f32 v63, v59;
	vm3 =	vlt.s32 v13, v58  }
0x9a: {  	(xrf1) =	vsort.dscd.msk.f32 $0xffff, v9, v57;
	v32 =	vsel vm2, v24, v21;
	vm2 =	vgt.f32 v63, v59;
	v34, v35, _ =	vpop (xrf1);
	vm1 =	vmand vm1, vm3  }
0x9b: {  	(xrf1) =	vsort.ascd.msk.f32 $0xffff, v60, v61;
	vm1 =	vmor vm2, vm1;
	v33 =	vpop (erf)  }
0x9c: {  	v36, v37, _ =	vpop (xrf1);
	v8 =	vsel vm1, v13, v58;
	v12 =	vnsel vm0, $0x0, v33  }
0x9d: {  	vm2 =	vlt.s32 v37, v35;
	v7 =	vsel vm1, v63, v59;
	vm1 =	veq.f32 v36, v34;
	(xrf2) =	vadd.scan.msk.f32 $0xffff, v12  }
0x9e: {  	vm3 =	vgt.f32 v36, v34;
	vm1 =	vmand vm1, vm2  }
0x9f: {  	(xrf1) =	vsort.dscd.msk.f32 $0xffff, v62, v32;
	vm1 =	vmor vm3, vm1  }
0xa0: {  	(xrf1) =	vsort.dscd.msk.f32 $0xffff, v7, v8;
	v9 =	vsel vm1, v37, v35;
	v7, v8, _ =	vpop (xrf1)  }
0xa1: {  	v6 =	vsel vm1, v36, v34;
	v13, v14, _ =	vpop (xrf1)  }
0xa2: {  	v15, v16, _ =	vpop (xrf1);
	vm2 =	veq.f32 v13, v7;
	vm3 =	vlt.s32 v14, v8  }
0xa3: {  	(xrf1) =	vsort.dscd.msk.f32 $0xffff, v6, v9;
	vm1 =	vgt.f32 v13, v7;
	v38, v39, _ =	vpop (xrf1);
	vm2 =	vmand vm2, vm3  }
0xa4: {  	v6, v9, _ =	vpop (xrf1);
	vm3 =	vgt.f32 v38, v15;
	vm1 =	vmor vm1, vm2  }
0xa5: {  	vm11 =	veq.f32 v38, v15;
	vm12 =	vlt.s32 v39, v16;
	v17, v18, _ =	vpop (xrf1);
	v7 =	vsel vm1, v13, v7  }
0xa6: {  	v8 =	vsel vm1, v14, v8;
	vm1 =	vmand vm11, vm12;
	vm2 =	veq.f32 v17, v6  }
0xa7: {  	vm13 =	vlt.s32 v18, v9;
	vm14 =	vgt.f32 v17, v6;
	vm1 =	vmor vm3, vm1;
	v13, _, _ =	vpop (xrf2)  }
0xa8: {  	v19, v20, _ =	vpop (xrf1);
	(xrf1) =	vsort.dscd.msk.f32 $0xffff, v7, v8;
	vm2 =	vmand vm2, vm13;
	v10 =	vsel vm1, v38, v15;
	v11 =	vsel vm1, v39, v16  }
0xa9: {  	vm2 =	vmor vm14, vm2;
	(xrf1) =	vsort.dscd.msk.f32 $0xffff, v10, v11;
	v40 =	vbroadcast v13, $0xF;
	v41, v13, _ =	vpop (xrf1)  }
0xaa: {  	s19 =	simm.s32 $0x340;
	s11 =	simm.s32 $0x300;
	v6 =	vsel vm2, v17, v6;
	vm3 =	veq.f32 v41, v19;
	vm15 =	vlt.s32 v13, v20  }
0xab: {  	s25 =	sor.u32 $0x50, s19;
	v14 =	vld [tilespmem:s11+$0x40];
	v9 =	vsel vm2, v18, v9;
	vm1 =	vgt.f32 v41, v19;
	vm3 =	vmand vm3, vm15  }
0xac: {  	s26 =	sor.u32 $0x60, s19;
	v42 =	vld [tilespmem:s25+$0x0];
	(xrf1) =	vsort.dscd.msk.f32 $0xffff, v6, v9;
	vm1 =	vmor vm1, vm3  }
0xad: {  	s28 =	sor.u32 $0x70, s19;
	s17 =	simm.s32 $0x240;
	v46 =	vld [tilespmem:s26+$0x0];
	v44 =	vsel vm1, v41, v19;
	v45 =	vsel vm1, v13, v20  }
0xae: {  	s20 =	sor.u32 $0x50, s17;
	v48 =	vld [tilespmem:s28+$0x0];
	(xrf1) =	vsort.dscd.msk.f32 $0xffff, v44, v45  }
0xaf: {  	s29 =	sor.u32 $0x60, s17;
	v49 =	vld [tilespmem:s20+$0x0];
	v15, v23, _ =	vpop (xrf1)  }
0xb0: {  	s21 =	sor.u32 $0x70, s17;
	s20 =	simm.s32 $0x2C0;
	v51 =	vld [tilespmem:s29+$0x0];
	(erf) = vrcp.f32 v40;
	v43 =	vmul.f32 $1.442695020e+00, v15;
	v15, v21, _ =	vpop (xrf1);
	(xrf1) =	vsort.dscd.msk.f32 $0xffff, v14, v0  }
0xb1: {  	s30 =	sor.u32 $0x50, s20;
	v47 =	vmul.f32 $1.442695020e+00, v15;
	v13, v5, _ =	vpop (xrf1);
	v14 =	vld [tilespmem:s21+$0x0];
	(xrf1) =	vsort.ascd.msk.f32 $0xffff, v42, v2  }
0xb2: {  	s31 =	sor.u32 $0x60, s20;
	(erf) = vpow2.f32 v43;
	v52 =	vmul.f32 $1.442695020e+00, v13;
	v13 =	vld [tilespmem:s30+$0x0];
	(xrf1) =	vsort.dscd.msk.f32 $0xffff, v46, v3  }
0xb3: {  	s0 =	sor.u32 $0x70, s20;
	v53 =	vld [tilespmem:s31+$0x0];
	(xrf1) =	vsort.ascd.msk.f32 $0xffff, v48, v4  }
0xb4: {  	v54 =	vld [tilespmem:s0+$0x0];
	(erf) = vpow2.f32 v47;
	(xrf1) =	vsort.ascd.msk.f32 $0xffff, v49, v2  }
0xb5: {  	v55 =	vld [tilespmem:s11+$0xFFFFFF00];
	(xrf1) =	vsort.dscd.msk.f32 $0xffff, v51, v3  }
0xb6: {  	v15 =	vld [tilespmem:s11+$0xFFFFFF10];
	(xrf1) =	vsort.ascd.msk.f32 $0xffff, v14, v4  }
0xb7: {  	v16 =	vld [tilespmem:s11+$0xFFFFFF20];
	v61, v56, _ =	vpop (xrf1);
	(xrf1) =	vsort.ascd.msk.f32 $0xffff, v13, v2  }
0xb8: {  	v17 =	vld [tilespmem:s11+$0xFFFFFF30];
	v20, v63, _ =	vpop (xrf1);
	(xrf1) =	vsort.dscd.msk.f32 $0xffff, v53, v3  }
0xb9: {  	v62 =	vld [tilespmem:s11+$0xFFFFFF40];
	v14 =	vpop (erf);
	(xrf1) =	vsort.ascd.msk.f32 $0xffff, v54, v4  }
0xba: {  	v24 =	vld [tilespmem:s11+$0xFFFFFF80];
	v33, v9, _ =	vpop (xrf1);
	(xrf1) =	vsort.dscd.msk.f32 $0xffff, v55, v0  }
0xbb: {  	v25 =	vld [tilespmem:s11+$0xFFFFFF90];
	v13 =	vpop (erf);
	(xrf1) =	vsort.ascd.msk.f32 $0xffff, v15, v2  }
0xbc: {  	v34, v8, _ =	vpop (xrf1);
	(xrf1) =	vsort.dscd.msk.f32 $0xffff, v16, v3  }
0xbd: {  	v18 =	vpop (erf);
	v15 =	vld [tilespmem:s11+$0xFFFFFFA0];
	(xrf1) =	vsort.ascd.msk.f32 $0xffff, v17, v4  }
0xbe: {  	v11 =	vmul.f32 $1.442695020e+00, v61;
	v16 =	vld [tilespmem:s11+$0xFFFFFFB0];
	v57, v17, _ =	vpop (xrf1);
	(xrf1) =	vsort.dscd.msk.f32 $0xffff, v62, v0  }
0xbf: {  	v27 =	vld [tilespmem:s11+$0xFFFFFFC0];
	(erf) = vpow2.f32 v52;
	(xrf1) =	vsort.dscd.msk.f32 $0xffff, v24, v0;
	v24, v28, _ =	vpop (xrf1)  }
0xc0: {  	(erf) = vpow2.f32 v11;
	(xrf1) =	vsort.ascd.msk.f32 $0xffff, v25, v2;
	v25, v30, _ =	vpop (xrf1)  }
0xc1: {  	vm1 =	vgt.f32 v24, v57;
	vm2 =	veq.f32 v24, v57;
	vm3 =	vlt.s32 v28, v17;
	v31, v58, _ =	vpop (xrf1)  }
0xc2: {  	vm2 =	vmand vm2, vm3;
	(xrf1) =	vsort.dscd.msk.f32 $0xffff, v15, v3;
	vm3 =	veq.f32 v31, v25;
	vm8 =	vlt.s32 v58, v30  }
0xc3: {  	v62 =	vld [tilespmem:$0x1FFF0];
	v37, v38, _ =	vpop (xrf1);
	vm1 =	vmor vm1, vm2;
	vm2 =	vgt.f32 v31, v25;
	(xrf1) =	vsort.ascd.msk.f32 $0xffff, v16, v4;
	vm3 =	vmand vm3, vm8  }
0xc4: {  	s1 =	simm.s32 $0x0;
	v39, v40, _ =	vpop (xrf1);
	v11 =	vsel vm1, v24, v57;
	v15 =	vsel vm1, v28, v17;
	(xrf1) =	vsort.dscd.msk.f32 $0xffff, v27, v0;
	v17 =	vld [tilespmem:s11+$0x0];
	vm1 =	vmor vm2, vm3  }
0xc5: {  	v59 =	vor.u32 s1, v50;
	v24, v27, _ =	vpop (xrf1);
	(xrf1) =	vsort.dscd.msk.f32 $0xffff, v11, v15;
	v16 =	vsel vm1, v31, v25;
	v25 =	vsel vm1, v58, v30;
	v31 =	vld [tilespmem:s11+$0x10]  }
0xc6: {  	s4 =	simm.s32 $0x0;
	v41, v42, _ =	vpop (xrf1);
	(xrf1) =	vsort.ascd.msk.f32 $0xffff, v16, v25;
	v25 =	vld [tilespmem:s11+$0x20];
	[tilespmem:$0x1FF30] =	vst v59  }
0xc7: {  	v45 =	vld [tilespmem:s11+$0x30];
	[tilespmem:$0x1FF40] =	vst v5;
	v5 =	vadd.s32 s4, v5  }
0xc8: {  	s18 =	simm.s32 $0x80;
	v26 =	vpop (erf);
	[tilespmem:$0x1FF50] =	vst v5  }
0xc9: {  	s21 =	simm.s32 $0x8;
	v61 =	vadd.s32 s18, v56;
	v36 =	vpop (erf);
	v60 =	vld [tilespmem:s11+$0x80];
	[tilespmem:$0x1FF60] =	vst v56  }
0xca: {  	v43, v44, _ =	vpop (xrf1);
	v5 =	vor.u32 s21, v62;
	[tilespmem:$0x1FF70] =	vst v61  }
0xcb: {  	v30 =	vadd.s32 s3, v21;
	s3 =	simm.s32 $0x28;
	v46, v47, _ =	vpop (xrf1);
	[tilespmem:$0x1FF80] =	vst v5  }
0xcc: {  	s22 =	simm.s32 $0x100;
	v28 =	vor.u32 s12, v50;
	v10 =	vor.u32 s3, v50;
	v49, v50, _ =	vpop (xrf1);
	v51 =	vld [tilespmem:s11+$0x90]  }
0xcd: {  	(xrf1) =	vsort.dscd.msk.f32 $0xffff, v17, v0;
	v52, v53, _ =	vpop (xrf1);
	v55 =	vld [tilespmem:s11+$0xA0];
	[tilespmem:$0x1FF90] =	vst v63;
	v63 =	vadd.s32 s22, v63  }
0xce: {  	s12 =	simm.s32 $0x3C0;
	vm1 =	veq.f32 v24, v39;
	vm2 =	vlt.s32 v27, v40;
	(xrf1) =	vsort.ascd.msk.f32 $0xffff, v31, v2;
	v31, v56, _ =	vpop (xrf1);
	[tilespmem:$0x1FFA0] =	vst v63  }
0xcf: {  	s23 =	sor.u32 $0x50, s12;
	vm3 =	vgt.f32 v24, v39;
	vm1 =	vmand vm1, vm2;
	(xrf1) =	vsort.dscd.msk.f32 $0xffff, v25, v3;
	v25, v58, _ =	vpop (xrf1);
	v57 =	vld [tilespmem:s11+$0xB0]  }
0xd0: {  	v54 =	vmul.f32 $1.442695020e+00, v20;
	v6 =	vnsel vm0, $0x0, v26;
	s24 =	sor.u32 $0x60, s12;
	vm2 =	vmor vm3, vm1;
	v26 =	vld [tilespmem:s23+$0x0];
	(xrf1) =	vsort.ascd.msk.f32 $0xffff, v45, v4;
	v45, v59, _ =	vpop (xrf1)  }
0xd1: {  	v7 =	vnsel vm0, $0x0, v36;
	s25 =	sor.u32 $0x70, s12;
	v24 =	vsel vm2, v24, v39;
	v36 =	vld [tilespmem:s24+$0x0];
	v39, v48, _ =	vpop (xrf1);
	(xrf1) =	vsort.dscd.msk.f32 $0xffff, v60, v0  }
0xd2: {  	(erf) = vpow2.f32 v54;
	vm1 =	veq.f32 v46, v43;
	v54 =	vld [tilespmem:s25+$0x0];
	(xrf1) =	vsort.ascd.msk.f32 $0xffff, v51, v2;
	v51, v60, _ =	vpop (xrf1)  }
0xd3: {  	vm3 =	vlt.s32 v47, v44;
	v27 =	vsel vm2, v27, v40;
	(xrf1) =	vsort.dscd.msk.f32 $0xffff, v55, v3;
	v55, v61, _ =	vpop (xrf1)  }
0xd4: {  	v62 =	vld [tilespmem:s11+$0xC0];
	vm12 =	veq.f32 v37, v45;
	vm13 =	vlt.s32 v38, v59;
	(xrf1) =	vsort.ascd.msk.f32 $0xffff, v57, v4;
	v57, v63, _ =	vpop (xrf1)  }
0xd5: {  	vm1 =	vmand vm1, vm3;
	vm14 =	vgt.f32 v37, v45;
	vm4 =	vmand vm12, vm13;
	(xrf1) =	vsort.ascd.msk.f32 $0xffff, v26, v2;
	v26, v19, _ =	vpop (xrf1)  }
0xd6: {  	vm10 =	veq.f32 v52, v49;
	vm3 =	vlt.s32 v53, v50;
	vm4 =	vmor vm14, vm4;
	(xrf1) =	vsort.dscd.msk.f32 $0xffff, v36, v3;
	v36, v40, _ =	vpop (xrf1)  }
0xd7: {  	vm11 =	vgt.f32 v52, v49;
	vm3 =	vmand vm10, vm3;
	v37 =	vsel vm4, v37, v45;
	(xrf1) =	vsort.ascd.msk.f32 $0xffff, v54, v4;
	v45, v54, _ =	vpop (xrf1)  }
0xd8: {  	vm7 =	veq.f32 v25, v31;
	vm15 =	veq.f32 v45, v36;
	vm12 =	vlt.s32 v54, v40  }
0xd9: {  	v38 =	vsel vm4, v38, v59;
	(xrf1) =	vsort.dscd.msk.f32 $0xffff, v62, v0;
	vm13 =	vgt.f32 v45, v36;
	vm6 =	vmand vm15, vm12  }
0xda: {  	vm2 =	vmor vm11, vm3;
	vm3 =	vlt.s32 v58, v56;
	(xrf1) =	vsort.dscd.msk.f32 $0xffff, v37, v38;
	vm4 =	vmor vm13, vm6  }
0xdb: {  	vm5 =	vgt.f32 v25, v31;
	vm3 =	vmand vm7, vm3;
	(xrf1) =	vsort.ascd.msk.f32 $0xffff, v24, v27;
	v27 =	vsel vm4, v54, v40  }
0xdc: {  	vm3 =	vmor vm5, vm3;
	v24 =	vsel vm4, v45, v36  }
0xdd: {  	vm14 =	veq.f32 v51, v39;
	vm10 =	vgt.f32 v51, v39;
	vm5 =	veq.f32 v57, v55  }
0xde: {  	vm15 =	vlt.s32 v60, v48;
	vm12 =	vgt.f32 v41, v26;
	v36, v37, _ =	vpop (xrf1);
	(xrf1) =	vsort.dscd.msk.f32 $0xffff, v24, v27  }
0xdf: {  	vm11 =	vmand vm14, vm15;
	vm13 =	veq.f32 v41, v26;
	vm14 =	vlt.s32 v42, v19;
	v24, v27, _ =	vpop (xrf1)  }
0xe0: {  	vm6 =	vlt.s32 v63, v61;
	vm4 =	vmor vm10, vm11;
	vm11 =	vmand vm13, vm14;
	v38, v40, _ =	vpop (xrf1)  }
0xe1: {  	vm9 =	vgt.f32 v46, v43;
	vm5 =	vmand vm5, vm6;
	vm6 =	vmor vm12, vm11;
	v45, v54, _ =	vpop (xrf1)  }
0xe2: {  	vm1 =	vmor vm9, vm1;
	v19 =	vsel vm6, v42, v19;
	v59, v62, _ =	vpop (xrf1)  }
0xe3: {  	v44 =	vsel vm1, v47, v44;
	v26 =	vsel vm6, v41, v26;
	v41, v42, _ =	vpop (xrf1)  }
0xe4: {  	v43 =	vsel vm1, v46, v43;
	v46, v47, _ =	vpop (xrf1)  }
0xe5: {  	v15 =	vnsel vm0, $0x0, v13;
	(xrf1) =	vsort.dscd.msk.f32 $0xffff, v26, v19;
	v19, v22, _ =	vpop (xrf1)  }
0xe6: {  	v5 =	vnsel vm0, $0x0, v18;
	v26 =	vsel vm2, v52, v49;
	v49 =	vsel vm2, v53, v50;
	v50, v52, _ =	vpop (xrf1)  }
0xe7: {  	v17 =	vmov v5;
	v0 =	vsel vm3, v25, v31;
	vm15 =	vgt.f32 v57, v55;
	(xrf1) =	vsort.ascd.msk.f32 $0xffff, v43, v44;
	v43, v44, _ =	vpop (xrf1)  }
0xe8: {  	v31 =	vsel vm3, v58, v56;
	vm5 =	vmor vm15, vm5;
	v39 =	vsel vm4, v51, v39;
	v53, v56, _ =	vpop (xrf1)  }
0xe9: {  	(xrf2) =	vadd.scan.msk.f32 $0xffff, v15;
	v48 =	vsel vm4, v60, v48;
	vm12 =	veq.f32 v24, v36;
	vm13 =	vlt.s32 v27, v37;
	v51, v58, _ =	vpop (xrf1)  }
0xea: {  	(xrf2) =	vadd.scan.msk.f32 $0xffff, v5;
	v5 =	vsel vm5, v63, v61;
	vm8 =	vgt.f32 v24, v36;
	vm1 =	vmand vm12, vm13;
	v60, v61, _ =	vpop (xrf1)  }
0xeb: {  	v16 =	vadd.s32 s14, v29;
	v11 =	vmov v29;
	vm1 =	vmor vm8, vm1;
	v63, v29, _ =	vpop (xrf1)  }
0xec: {  	v36 =	vsel vm1, v24, v36;
	v27 =	vsel vm1, v27, v37;
	v24, v37, _ =	vpop (xrf1)  }
0xed: {  	v24 =	vmul.f32 $1.442695020e+00, v24  }
0xee: {  	v33 =	vmul.f32 $1.442695020e+00, v33;
	v55 =	vsel vm5, v57, v55;
	(xrf1) =	vsort.dscd.msk.f32 $0xffff, v26, v49  }
0xef: {  	vm14 =	veq.f32 v45, v38;
	(xrf1) =	vsort.ascd.msk.f32 $0xffff, v0, v31;
	v0 =	vmul.f32 $1.442695020e+00, v34;
	(erf) = vpow2.f32 v24  }
0xf0: {  	vm15 =	vlt.s32 v54, v40;
	vm12 =	vgt.f32 v45, v38;
	v26 =	vpop (erf);
	(erf) = vpow2.f32 v33  }
0xf1: {  	vm2 =	vmand vm14, vm15;
	vm13 =	vgt.f32 v41, v59;
	(erf) = vpow2.f32 v0;
	v0 =	vld [tilespmem:$0x1FFF0]  }
0xf2: {  	(xrf2) =	vadd.scan.msk.f32 $0xffff, v6;
	vm14 =	veq.f32 v41, v59;
	vm15 =	vlt.s32 v42, v62;
	vm2 =	vmor vm12, vm2  }
0xf3: {  	v26 =	vnsel vm0, $0x0, v26;
	vm3 =	vmand vm14, vm15;
	v38 =	vsel vm2, v45, v38  }
0xf4: {  	(xrf2) =	vadd.scan.msk.f32 $0xffff, v7;
	v40 =	vsel vm2, v54, v40;
	vm1 =	vmor vm13, vm3;
	vm2 =	veq.f32 v19, v46  }
0xf5: {  	s28 =	simm.s32 $0x10;
	(xrf2) =	vadd.scan.msk.f32 $0xffff, v26;
	vm3 =	vlt.s32 v22, v47;
	vm12 =	vgt.f32 v19, v46;
	v41 =	vsel vm1, v41, v59  }
0xf6: {  	(xrf1) =	vsort.dscd.msk.f32 $0xffff, v39, v48;
	vm2 =	vmand vm2, vm3;
	v31 =	vsel vm1, v42, v62;
	v0 =	vor.u32 s28, v0  }
0xf7: {  	vm2 =	vmor vm12, vm2;
	(xrf1) =	vsort.ascd.msk.f32 $0xffff, v55, v5;
	vm3 =	veq.f32 v53, v43;
	[tilespmem:$0x1FFB0] =	vst v0;
	v0 =	vld [tilespmem:$0x1FFF0]  }
0xf8: {  	vm15 =	vlt.s32 v56, v44;
	v62 =	vsel vm2, v19, v46;
	v22 =	vsel vm2, v22, v47  }
0xf9: {  	v49, _, _ =	vpop (xrf2);
	vm2 =	vgt.f32 v53, v43;
	vm13 =	veq.f32 v50, v51;
	vm14 =	vlt.s32 v52, v58  }
0xfa: {  	v34, _, _ =	vpop (xrf2);
	(xrf1) =	vsort.dscd.msk.f32 $0xffff, v36, v27;
	vm1 =	vgt.f32 v50, v51;
	vm3 =	vmand vm3, vm15;
	vm4 =	vmand vm13, vm14  }
0xfb: {  	s29 =	simm.s32 $0x18;
	v59 =	vmovc v9;
	(xrf1) =	vsort.ascd.msk.f32 $0xffff, v38, v40;
	vm2 =	vmor vm2, vm3;
	vm1 =	vmor vm1, vm4;
	vm8 =	veq.f32 v63, v60  }
0xfc: {  	v36, _, _ =	vpop (xrf2);
	(xrf1) =	vsort.dscd.msk.f32 $0xffff, v41, v31;
	vm9 =	vlt.s32 v29, v61;
	vm3 =	vgt.f32 v63, v60;
	v0 =	vor.u32 s29, v0  }
0xfd: {  	v31 =	vsel vm2, v53, v43;
	v27 =	vsel vm1, v50, v51;
	vm4 =	vmand vm8, vm9;
	v50, v51, _ =	vpop (xrf1)  }
0xfe: {  	s26 =	simm.s32 $0x180;
	v57 =	vsel vm2, v56, v44;
	(xrf1) =	vsort.ascd.msk.f32 $0xffff, v62, v22;
	v52 =	vsel vm1, v52, v58;
	vm1 =	vmor vm3, vm4;
	v54, v55, _ =	vpop (xrf1)  }
0xff: {  	(xrf1) =	vsort.dscd.msk.f32 $0xffff, v27, v52;
	v24 =	vadd.s32 s26, v9;
	v58 =	vsel vm1, v63, v60;
	[tilespmem:$0x1FFC0] =	vst v0;
	v0 =	vpop (erf)  }
0x100: {  	v9, _, _ =	vpop (xrf2);
	(xrf1) =	vsort.ascd.msk.f32 $0xffff, v31, v57;
	vm2 =	veq.f32 v54, v50;
	vm3 =	vlt.s32 v55, v51;
	v40 =	vnsel vm0, $0x0, v0  }
0x101: {  	v27 =	vsel vm1, v29, v61;
	v46, _, _ =	vpop (xrf2);
	vm1 =	vgt.f32 v54, v50;
	vm2 =	vmand vm2, vm3;
	v0 =	vld [tilespmem:$0x1FFF0];
	(xrf2) =	vadd.scan.msk.f32 $0xffff, v40  }
0x102: {  	v35 =	vmul.f32 v14, v12;
	v20 =	vmov v7;
	v5, v63, _ =	vpop (xrf1);
	vm1 =	vmor vm1, vm2  }
0x103: {  	v25 =	vmov v6;
	(xrf1) =	vsort.dscd.msk.f32 $0xffff, v58, v27;
	v61 =	vsel vm1, v54, v50;
	v62 =	vsel vm1, v55, v51;
	v7, v6, _ =	vpop (xrf1)  }
0x104: {  	(xrf1) =	vsort.dscd.msk.f32 $0xffff, v61, v62;
	vm2 =	veq.f32 v7, v5;
	vm3 =	vlt.s32 v6, v63;
	v29 =	vpop (erf)  }
0x105: {  	s30 =	simm.s32 $0x20;
	v42 =	vbroadcast v36, $0xF;
	vm1 =	vgt.f32 v7, v5;
	vm2 =	vmand vm2, vm3;
	v60 =	vpop (erf)  }
0x106: {  	[tilespmem:$0x1FFD0] =	vst v8;
	v38 =	vnsel vm0, $0x0, v29;
	v31 =	vor.u32 s30, v0;
	v0 =	vadd.s32 s13, v8;
	v29, v8, _ =	vpop (xrf1)  }
0x107: {  	v44 =	vbroadcast v34, $0xF;
	v41 =	vbroadcast v9, $0xF;
	vm1 =	vmor vm1, vm2;
	v57, v9, _ =	vpop (xrf1)  }
0x108: {  	v33 =	vsel vm1, v7, v5;
	vm3 =	veq.f32 v57, v29;
	vm10 =	vlt.s32 v9, v8;
	v50, v51, _ =	vpop (xrf1)  }
0x109: {  	v39 =	vnsel vm0, $0x0, v60;
	vm11 =	vgt.f32 v57, v29;
	vm2 =	vmand vm3, vm10;
	v58, v60, _ =	vpop (xrf1)  }
0x10a: {  	v34 =	vsel vm1, v6, v63;
	vm3 =	vgt.f32 v58, v50;
	v61, v62, _ =	vpop (xrf1);
	vm2 =	vmor vm11, vm2  }
0x10b: {  	vm12 =	veq.f32 v58, v50;
	vm13 =	vlt.s32 v60, v51;
	v47 =	vsel vm2, v57, v29;
	v29, _, _ =	vpop (xrf2)  }
0x10c: {  	v63, v5, _ =	vpop (xrf1);
	vm1 =	vmand vm12, vm13;
	v36 =	vsel vm2, v9, v8;
	v29 =	vbroadcast v29, $0xF  }
0x10d: {  	(xrf2) =	vadd.scan.msk.f32 $0xffff, v38;
	vm15 =	veq.f32 v63, v61;
	vm1 =	vmor vm3, vm1;
	vm3 =	vlt.s32 v5, v62  }
0x10e: {  	(xrf2) =	vadd.scan.msk.f32 $0xffff, v39;
	vm14 =	vgt.f32 v63, v61;
	v6 =	vsel vm1, v58, v50;
	v50, v52, _ =	vpop (xrf1);
	vm2 =	vmand vm15, vm3  }
0x10f: {  	[tilespmem:$0x1FFE0] =	vst v0;
	v51 =	vsel vm1, v60, v51;
	v8, v7, _ =	vpop (xrf1);
	vm1 =	vmor vm14, vm2  }
0x110: {  	v0 =	vld [tilespmem:$0x1FFF0];
	[tilespmem:v16+s8+$0x0] =	vst.idx.msk $0xff, v35;
	(erf) = vrcp.f32 v29;
	vm2 =	veq.f32 v8, v50;
	vm3 =	vlt.s32 v7, v52  }
0x111: {  	[tilespmem:v10+s9+$0x0] =	vst.idx.msk $0xff, v11;
	v9 =	vsel vm1, v63, v61;
	vm2 =	vmand vm2, vm3;
	vm3 =	vgt.f32 v8, v50;
	v10, v29, _ =	vpop (xrf1)  }
0x112: {  	(xrf1) =	vsort.dscd.msk.f32 $0xffff, v33, v34;
	v11 =	vsel vm1, v5, v62;
	vm1 =	vmor vm3, vm2;
	v58 =	vmul.f32 $1.442695020e+00, v10;
	v61, v33, _ =	vpop (xrf1)  }
0x113: {  	v60 =	vsel vm1, v8, v50;
	v50 =	vmul.f32 $1.442695020e+00, v61  }
0x114: {  	(erf) = vpow2.f32 v58  }
0x115: {  	(erf) = vpow2.f32 v50;
	v50 =	vld [tilespmem:$0x1FFF0]  }
0x116: {  	v32 =	vadd.s32 s15, v23  }
0x117: {  	s31 =	simm.s32 $0x30;
	v18 =	vmov v3;
	v45 =	vbroadcast v49, $0xF;
	v22 =	vlaneseq.u32;
	(xrf1) =	vsort.dscd.msk.f32 $0xffff, v47, v36;
	v57, _, _ =	vpop (xrf2)  }
0x118: {  	s16 =	simm.s32 $0x280;
	s15 =	simm.s32 $0x78;
	s18 =	simm.s32 $0x8;
	v43 =	vbroadcast v46, $0xF;
	v46 =	vadd.s32 s19, v37;
	v27 =	vor.u32 s31, v0;
	(xrf1) =	vsort.dscd.msk.f32 $0xffff, v6, v51;
	v63, _, _ =	vpop (xrf2)  }
0x119: {  	s14 =	simm.s32 $0x300;
	s21 =	simm.s32 $0x40;
	s23 =	simm.s32 $0x68;
	v34 =	vmovc v4;
	v47 =	vbroadcast v57, $0xF;
	v49 =	vbroadcast v63, $0xF;
	v62 =	vsel vm1, v7, v52;
	(xrf1) =	vsort.dscd.msk.f32 $0xffff, v9, v11  }
0x11a: {  	s19 =	simm.s32 $0x5C0;
	s13 =	simm.s32 $0x380;
	v16 =	vmovc v2;
	v53 =	vadd.s32 s17, v29;
	s17 =	simm.s32 $0x200;
	v35 =	vadd.s32 s20, v33;
	(xrf1) =	vsort.dscd.msk.f32 $0xffff, v60, v62;
	v36 =	vor.u32 s15, v50  }
.LBB2_4:
0x11b: {  	_ =	sdelay $0x4  }
0x11c: {  	s20 =	sadd.s32 $0xFFFFFF80, s19;
	s11 =	sadd.s32 $0x200, s11  }
0x11d: {  	v52 =	vld [tilespmem:s11+$0x40];
	s24 =	sor.u32 $0x50, s20;
	v9 =	vpop (erf);
	(erf) = vrcp.f32 v45  }
0x11e: {  	s4 =	sor.u32 $0x60, s20;
	v10 =	vld [tilespmem:s24+$0x0];
	v0 =	vmul.f32 v9, v40;
	(erf) = vrcp.f32 v44  }
0x11f: {  	[tilespmem:$0x1FF20] =	vst v35;
	v48 =	vor.u32 s21, v50;
	v51 =	vor.u32 s23, v50;
	s25 =	sor.u32 $0x70, s20;
	v11 =	vld [tilespmem:s4+$0x0];
	v40, v50, _ =	vpop (xrf1);
	(erf) = vrcp.f32 v49  }
0x120: {  	v35 =	vld [tilespmem:s25+$0x0];
	v5 =	vpop (erf);
	[tilespmem:v46+s8+$0x0] =	vst.idx.msk $0xff, v0;
	v0 =	vmul.f32 $1.442695020e+00, v40;
	(erf) = vrcp.f32 v42  }
0x121: {  	v7, v56, _ =	vpop (xrf1);
	(erf) = vrcp.f32 v41  }
0x122: {  	v2 =	vmul.f32 $1.442695020e+00, v7;
	(erf) = vpow2.f32 v0  }
0x123: {  	v8 =	vpop (erf);
	(erf) = vrcp.f32 v43  }
0x124: {  	(erf) = vpow2.f32 v2;
	v2 =	vld [tilespmem:$0x1FFF0];
	_ =	sdelay $0x3  }
0x125: {  	s4 =	sadd.s32 $0xFFFFFFE8, s15;
	v0 =	vld [tilespmem:$0x1FFF0]  }
0x126: {  	v2 =	vor.u32 s4, v2  }
0x127: {  	[tilespmem:$0x1FF00] =	vst v2;
	v2 =	vld [tilespmem:$0x1FFF0];
	_ =	sdelay $0x1  }
0x128: {  	s22 =	sadd.s32 $0xFFFFFE80, s19;
	s0 =	sadd.s32 $0xFFFFFFD0, s15  }
0x129: {  	[tilespmem:$0x1FF10] =	vst v53;
	s3 =	sor.u32 $0x50, s22;
	v53 =	vor.u32 s0, v0;
	v0 =	vld [tilespmem:$0x1FFF0]  }
0x12a: {  	v54 =	vld [tilespmem:s3+$0x0];
	s0 =	sadd.s32 $0xFFFFFFF8, s15  }
0x12b: {  	s26 =	sor.u32 $0x60, s22;
	v43 =	vor.u32 s0, v2;
	v2 =	vld [tilespmem:$0x1FF80]  }
0x12c: {  	s28 =	sor.u32 $0x70, s22;
	v6 =	vld [tilespmem:s26+$0x0]  }
0x12d: {  	s21 =	sadd.s32 $0xFFFFFF00, s19;
	s1 =	sadd.s32 $0xFFFFFFD8, s15;
	v57 =	vld [tilespmem:s28+$0x0];
	(xrf1) =	vsort.dscd.msk.f32 $0xffff, v52, v22  }
0x12e: {  	s29 =	sor.u32 $0x50, s21;
	[tilespmem:v51+s9+$0x0] =	vst.idx.msk $0xff, v37;
	(xrf1) =	vsort.ascd.msk.f32 $0xffff, v10, v16;
	v51 =	vor.u32 s1, v0;
	v0 =	vld [tilespmem:$0x1FFF0]  }
0x12f: {  	v3 =	vmov v59;
	s30 =	sor.u32 $0x60, s21;
	v59 =	vld [tilespmem:s29+$0x0];
	(xrf1) =	vsort.dscd.msk.f32 $0xffff, v11, v18;
	v11 =	vpop (erf)  }
0x130: {  	s31 =	sor.u32 $0x70, s21;
	v61 =	vld [tilespmem:s30+$0x0];
	v4 =	vmul.f32 v11, v15  }
0x131: {  	v62 =	vld [tilespmem:s31+$0x0];
	v9, v46, _ =	vpop (xrf1);
	(xrf1) =	vsort.ascd.msk.f32 $0xffff, v35, v34  }
0x132: {  	s3 =	sadd.s32 $0xFFFFFFE0, s15;
	v10, v37, _ =	vpop (xrf1);
	(xrf1) =	vsort.ascd.msk.f32 $0xffff, v54, v16;
	(erf) = vrcp.f32 v47;
	v47 =	vld [tilespmem:s11+$0xFFFFFF00];
	[tilespmem:v32+s8+$0x0] =	vst.idx.msk $0xff, v4  }
0x133: {  	(xrf1) =	vsort.dscd.msk.f32 $0xffff, v6, v18;
	v54 =	vor.u32 s3, v0;
	v0 =	vld [tilespmem:s11+$0xFFFFFF10];
	[tilespmem:v2+s9+$0x0] =	vst.idx.msk $0xff, v23;
	v2 =	vmov v53  }
0x134: {  	v35, v63, _ =	vpop (xrf1);
	(xrf1) =	vsort.ascd.msk.f32 $0xffff, v57, v34;
	[tilespmem:$0x1FF80] =	vst v2;
	v2 =	vld [tilespmem:$0x1FFC0]  }
0x135: {  	(xrf1) =	vsort.ascd.msk.f32 $0xffff, v59, v16  }
0x136: {  	(xrf1) =	vsort.dscd.msk.f32 $0xffff, v61, v18  }
0x137: {  	(xrf1) =	vsort.ascd.msk.f32 $0xffff, v62, v34  }
0x138: {  	v6 =	vpop (erf);
	(xrf1) =	vsort.dscd.msk.f32 $0xffff, v47, v22  }
0x139: {  	v60 =	vnsel vm0, $0x0, v8;
	v8 =	vmul.f32 v6, v17;
	(xrf1) =	vsort.ascd.msk.f32 $0xffff, v0, v16;
	v0 =	vld [tilespmem:$0x1FFE0];
	_ =	sdelay $0x1  }
0x13a: {  	[tilespmem:v30+s8+$0x0] =	vst.idx.msk $0xff, v8  }
0x13b: {  	[tilespmem:v2+s9+$0x0] =	vst.idx.msk $0xff, v21;
	v2 =	vmov v54  }
0x13c: {  	[tilespmem:$0x1FFC0] =	vst v2;
	v2 =	vld [tilespmem:$0x1FFD0]  }
0x13d: {  	v15 =	vpop (erf)  }
0x13e: {  	v23 =	vmul.f32 v15, v39;
	_ =	sdelay $0x1  }
0x13f: {  	[tilespmem:v0+s8+$0x0] =	vst.idx.msk $0xff, v23  }
0x140: {  	[tilespmem:v28+s9+$0x0] =	vst.idx.msk $0xff, v2;
	v2 =	vmov v63  }
0x141: {  	[tilespmem:$0x1FFD0] =	vst v2;
	v2 =	vld [tilespmem:$0x1FF50];
	_ =	sdelay $0x4  }
0x142: {  	v14 =	vpop (erf)  }
0x143: {  	v62 =	vld [tilespmem:$0x1FF30];
	v11 =	vmul.f32 v14, v25  }
0x144: {  	v55 =	vadd.s32 s17, v50;
	v7 =	vld [tilespmem:s11+$0xFFFFFF20]  }
0x145: {  	v49 =	vmul.f32 $1.442695020e+00, v9;
	v9 =	vld [tilespmem:s11+$0xFFFFFF30];
	[tilespmem:v2+s8+$0x0] =	vst.idx.msk $0xff, v11;
	v2 =	vmov v55  }
0x146: {  	[tilespmem:$0x1FF50] =	vst v2;
	v2 =	vld [tilespmem:$0x1FF40];
	_ =	sdelay $0x4  }
0x147: {  	[tilespmem:v62+s9+$0x0] =	vst.idx.msk $0xff, v2;
	v2 =	vmov v48  }
0x148: {  	[tilespmem:$0x1FF30] =	vst v2;
	v2 =	vld [tilespmem:$0x1FF70]  }
0x149: {  	v42 =	vmul.f32 $1.442695020e+00, v10;
	v10 =	vld [tilespmem:s11+$0xFFFFFF40];
	_ =	sdelay $0x2  }
0x14a: {  	v30 =	vld [tilespmem:s11+$0xFFFFFF80];
	(xrf1) =	vsort.dscd.msk.f32 $0xffff, v7, v18  }
0x14b: {  	v40 =	vpop (erf);
	v25 =	vld [tilespmem:s11+$0xFFFFFFB0];
	(xrf1) =	vsort.ascd.msk.f32 $0xffff, v9, v34  }
0x14c: {  	v6 =	vmul.f32 v40, v20;
	(xrf1) =	vsort.dscd.msk.f32 $0xffff, v10, v22;
	v10 =	vld [tilespmem:$0x1FFB0]  }
0x14d: {  	v58 =	vadd.s32 s16, v56;
	v53 =	vld [tilespmem:s11+$0xFFFFFF90]  }
0x14e: {  	v23 =	vld [tilespmem:s11+$0xFFFFFFA0];
	[tilespmem:v2+s8+$0x0] =	vst.idx.msk $0xff, v6;
	v2 =	vmov v58  }
0x14f: {  	[tilespmem:$0x1FF70] =	vst v2;
	v2 =	vld [tilespmem:$0x1FF60];
	_ =	sdelay $0x1  }
0x150: {  	v17 =	vpop (erf)  }
0x151: {  	v0 =	vpop (erf)  }
0x152: {  	v59 =	vpop (erf)  }
0x153: {  	v28, v61, _ =	vpop (xrf1);
	[tilespmem:v10+s9+$0x0] =	vst.idx.msk $0xff, v2;
	v2 =	vmov v56  }
0x154: {  	v52 =	vnsel vm0, $0x0, v5;
	v5 =	vmov v60;
	v57 =	vadd.s32 s12, v63;
	(xrf1) =	vsort.dscd.msk.f32 $0xffff, v30, v22;
	v30, v63, _ =	vpop (xrf1)  }
0x155: {  	v0 =	vmul.f32 v0, v26;
	v60 =	vpop (erf);
	vm2 =	veq.f32 v30, v28;
	vm3 =	vlt.s32 v63, v61  }
0x156: {  	v26 =	vld [tilespmem:s11+$0xFFFFFFC0];
	v39, v47, _ =	vpop (xrf1);
	vm1 =	vgt.f32 v30, v28;
	vm2 =	vmand vm2, vm3;
	[tilespmem:$0x1FF60] =	vst v2;
	v2 =	vmov v51  }
0x157: {  	v44 =	vmul.f32 $1.442695020e+00, v35;
	v9 =	vmov v50;
	(xrf1) =	vsort.ascd.msk.f32 $0xffff, v53, v16;
	vm1 =	vmor vm1, vm2;
	v48, v11, _ =	vpop (xrf1)  }
0x158: {  	v7 =	vld [tilespmem:s11+$0x0];
	v21 =	vmul.f32 v60, v38;
	v8 =	vsel vm1, v63, v61;
	vm3 =	veq.f32 v48, v39  }
0x159: {  	vm4 =	vlt.s32 v11, v47;
	v6 =	vld [tilespmem:s11+$0x10];
	v55, v56, _ =	vpop (xrf1);
	(xrf1) =	vsort.dscd.msk.f32 $0xffff, v23, v18;
	[tilespmem:$0x1FFB0] =	vst v2;
	v2 =	vmov v57  }
0x15a: {  	vm2 =	vgt.f32 v48, v39;
	vm3 =	vmand vm3, vm4;
	v53, v58, _ =	vpop (xrf1);
	(xrf1) =	vsort.ascd.msk.f32 $0xffff, v25, v34;
	[tilespmem:$0x1FFE0] =	vst v2;
	v2 =	vld [tilespmem:$0x1FFA0]  }
0x15b: {  	[tilespmem:$0x1FF40] =	vst v9;
	v25 =	vsel vm1, v30, v28;
	vm1 =	vmor vm2, vm3;
	v10, v9, _ =	vpop (xrf1);
	(xrf1) =	vsort.dscd.msk.f32 $0xffff, v26, v22;
	v51 =	vld [tilespmem:s11+$0x20]  }
0x15c: {  	v35 =	vmov v52;
	v52 =	vld [tilespmem:s11+$0x30];
	v26 =	vsel vm1, v48, v39;
	v30 =	vsel vm1, v11, v47;
	v32, v23, _ =	vpop (xrf1);
	(xrf1) =	vsort.dscd.msk.f32 $0xffff, v25, v8  }
0x15d: {  	v40 =	vmov v36;
	v54 =	vld [tilespmem:s11+$0x80];
	vm1 =	veq.f32 v10, v53;
	vm2 =	vlt.s32 v9, v58;
	v38, v28, _ =	vpop (xrf1);
	(xrf1) =	vsort.ascd.msk.f32 $0xffff, v26, v30  }
0x15e: {  	v36 =	vnsel vm0, $0x0, v59;
	v59 =	vld [tilespmem:s11+$0x90];
	vm3 =	vgt.f32 v10, v53;
	vm1 =	vmand vm1, vm2;
	v50, v39, _ =	vpop (xrf1);
	(xrf1) =	vsort.dscd.msk.f32 $0xffff, v7, v22  }
0x15f: {  	v11 =	vld [tilespmem:s11+$0xA0];
	vm1 =	vmor vm3, vm1;
	vm2 =	veq.f32 v50, v38;
	vm3 =	vlt.s32 v39, v28;
	v30, v20, _ =	vpop (xrf1);
	(xrf1) =	vsort.ascd.msk.f32 $0xffff, v6, v16  }
0x160: {  	s25 =	sor.u32 $0x50, s19;
	(erf) = vpow2.f32 v49;
	v57 =	vld [tilespmem:s11+$0xB0];
	v6 =	vsel vm1, v10, v53;
	vm15 =	vgt.f32 v50, v38;
	v48, v47, _ =	vpop (xrf1);
	(xrf1) =	vsort.dscd.msk.f32 $0xffff, v51, v18  }
0x161: {  	s24 =	sor.u32 $0x60, s19;
	v26 =	vld [tilespmem:s25+$0x0];
	vm2 =	vmand vm2, vm3;
	vm3 =	veq.f32 v48, v30;
	vm5 =	vlt.s32 v47, v20;
	v51, v49, _ =	vpop (xrf1);
	(xrf1) =	vsort.ascd.msk.f32 $0xffff, v52, v34  }
0x162: {  	s23 =	sor.u32 $0x70, s19;
	vm8 =	vgt.f32 v48, v30;
	vm3 =	vmand vm3, vm5;
	v53, v52, _ =	vpop (xrf1);
	(xrf1) =	vsort.dscd.msk.f32 $0xffff, v54, v22;
	[tilespmem:v2+s8+$0x0] =	vst.idx.msk $0xff, v0;
	v0 =	vld [tilespmem:s24+$0x0]  }
0x163: {  	v7 =	vld [tilespmem:s23+$0x0];
	v58 =	vsel vm1, v9, v58;
	vm1 =	vmor vm8, vm3;
	vm3 =	veq.f32 v53, v51;
	v4, v63, _ =	vpop (xrf1);
	(xrf1) =	vsort.ascd.msk.f32 $0xffff, v59, v16  }
0x164: {  	v60 =	vld [tilespmem:s11+$0xC0];
	vm9 =	vlt.s32 v52, v49;
	vm6 =	vgt.f32 v53, v51;
	v59, v54, _ =	vpop (xrf1);
	(xrf1) =	vsort.dscd.msk.f32 $0xffff, v11, v18  }
0x165: {  	vm2 =	vmor vm15, vm2;
	vm10 =	veq.f32 v55, v4;
	vm11 =	vlt.s32 v56, v63;
	v62, v8, _ =	vpop (xrf1);
	(xrf1) =	vsort.ascd.msk.f32 $0xffff, v57, v34  }
0x166: {  	vm7 =	vgt.f32 v55, v4;
	vm4 =	vmand vm10, vm11;
	vm12 =	veq.f32 v62, v59;
	(xrf1) =	vsort.ascd.msk.f32 $0xffff, v26, v16  }
0x167: {  	vm4 =	vmor vm7, vm4;
	vm13 =	vlt.s32 v8, v54;
	vm14 =	vgt.f32 v62, v59;
	v57, v9, _ =	vpop (xrf1);
	(xrf1) =	vsort.dscd.msk.f32 $0xffff, v0, v18  }
0x168: {  	vm3 =	vmand vm3, vm9;
	v2 =	vsel vm4, v56, v63;
	v56, v61, _ =	vpop (xrf1);
	v0 =	vsel vm4, v55, v4;
	(xrf1) =	vsort.ascd.msk.f32 $0xffff, v7, v34  }
0x169: {  	vm5 =	vmand vm12, vm13;
	vm15 =	veq.f32 v56, v57;
	vm12 =	vlt.s32 v61, v9;
	v7, v63, _ =	vpop (xrf1);
	(xrf1) =	vsort.dscd.msk.f32 $0xffff, v60, v22  }
0x16a: {  	vm3 =	vmor vm6, vm3;
	vm4 =	vmor vm14, vm5;
	vm5 =	vmand vm15, vm12;
	v60, v10, _ =	vpop (xrf1);
	(xrf1) =	vsort.dscd.msk.f32 $0xffff, v0, v2;
	v2 =	vld [tilespmem:$0x1FF90]  }
0x16b: {  	vm13 =	vgt.f32 v32, v7;
	vm8 =	veq.f32 v32, v7;
	vm9 =	vlt.s32 v23, v63;
	v0, v55, _ =	vpop (xrf1)  }
0x16c: {  	v26 =	vpop (erf);
	vm14 =	vmand vm8, vm9;
	vm15 =	veq.f32 v0, v60;
	vm12 =	vlt.s32 v55, v10  }
0x16d: {  	vm6 =	vmor vm13, vm14;
	(xrf1) =	vsort.ascd.msk.f32 $0xffff, v6, v58;
	v6, v58, _ =	vpop (xrf1);
	vm13 =	vgt.f32 v0, v60;
	vm7 =	vmand vm15, vm12  }
0x16e: {  	v11, v12, _ =	vpop (xrf1);
	vm7 =	vmor vm13, vm7  }
0x16f: {  	v4 =	vsel vm7, v0, v60;
	[tilespmem:v31+s9+$0x0] =	vst.idx.msk $0xff, v2;
	v31, v13, _ =	vpop (xrf1)  }
0x170: {  	(xrf2) =	vadd.scan.msk.f32 $0xffff, v35;
	v2 =	vsel vm7, v55, v10;
	v55, v60, _ =	vpop (xrf1)  }
0x171: {  	(xrf1) =	vsort.dscd.msk.f32 $0xffff, v4, v2;
	v0, v10, _ =	vpop (xrf1)  }
0x172: {  	[tilespmem:v24+s8+$0x0] =	vst.idx.msk $0xff, v21;
	v4 =	vmov v46;
	v21, v24, _ =	vpop (xrf1)  }
0x173: {  	v45 =	vadd.s32 s14, v46;
	(xrf2) =	vadd.scan.msk.f32 $0xffff, v5;
	v46, v14, _ =	vpop (xrf1)  }
0x174: {  	v15 =	vnsel vm0, $0x0, v17;
	v17 =	vmov v5;
	v38 =	vsel vm2, v50, v38;
	v19, v2, _ =	vpop (xrf1)  }
0x175: {  	[tilespmem:v27+s9+$0x0] =	vst.idx.msk $0xff, v3;
	v28 =	vsel vm2, v39, v28;
	v26 =	vnsel vm0, $0x0, v26;
	vm10 =	vgt.f32 v56, v57;
	v27, v3, _ =	vpop (xrf1)  }
0x176: {  	vm5 =	vmor vm10, vm5;
	v7 =	vsel vm6, v32, v7;
	v23 =	vsel vm6, v23, v63;
	[tilespmem:$0x1FF90] =	vst v4;
	v32, v4, _ =	vpop (xrf1)  }
0x177: {  	vm14 =	veq.f32 v11, v6;
	vm15 =	vlt.s32 v12, v58;
	vm10 =	vgt.f32 v11, v6;
	v50, v63, _ =	vpop (xrf1)  }
0x178: {  	vm8 =	vmand vm14, vm15;
	vm12 =	veq.f32 v55, v31;
	vm13 =	vlt.s32 v60, v13;
	v39, v5, _ =	vpop (xrf1);
	(xrf1) =	vsort.dscd.msk.f32 $0xffff, v7, v23  }
0x179: {  	vm8 =	vmor vm10, vm8;
	vm11 =	vgt.f32 v55, v31;
	vm7 =	vmand vm12, vm13  }
0x17a: {  	vm12 =	veq.f32 v21, v0;
	vm13 =	vlt.s32 v24, v10;
	vm7 =	vmor vm11, vm7  }
0x17b: {  	(xrf2) =	vadd.scan.msk.f32 $0xffff, v15;
	vm10 =	vmand vm12, vm13;
	vm11 =	vgt.f32 v19, v46;
	vm12 =	veq.f32 v19, v46;
	v7, _, _ =	vpop (xrf2)  }
0x17c: {  	vm13 =	vlt.s32 v2, v14;
	v23 =	vsel vm1, v48, v30;
	v30 =	vsel vm1, v47, v20;
	(xrf2) =	vadd.scan.msk.f32 $0xffff, v36;
	v47, v48, _ =	vpop (xrf1)  }
0x17d: {  	vm14 =	vmand vm12, vm13;
	(xrf1) =	vsort.ascd.msk.f32 $0xffff, v38, v28;
	v38 =	vsel vm3, v52, v49;
	v49 =	vsel vm4, v62, v59;
	v62, _, _ =	vpop (xrf2)  }
0x17e: {  	v41 =	vadd.s32 s13, v37;
	vm6 =	vmor vm11, vm14;
	v28 =	vsel vm3, v53, v51;
	(xrf2) =	vadd.scan.msk.f32 $0xffff, v26;
	v51, v52, _ =	vpop (xrf1)  }
0x17f: {  	v8 =	vsel vm4, v8, v54;
	v2 =	vsel vm6, v2, v14;
	v59 =	vmov v37;
	v14, v37, _ =	vpop (xrf1);
	(xrf1) =	vsort.dscd.msk.f32 $0xffff, v23, v30  }
0x180: {  	v25 =	vmovc v15;
	v9 =	vsel vm5, v61, v9;
	v6 =	vsel vm8, v11, v6;
	(xrf1) =	vsort.ascd.msk.f32 $0xffff, v28, v38  }
0x181: {  	v15 =	vmovc v35;
	vm9 =	vgt.f32 v21, v0;
	v53 =	vsel vm5, v56, v57;
	(xrf1) =	vsort.dscd.msk.f32 $0xffff, v49, v8  }
0x182: {  	v35 =	vsel vm8, v12, v58;
	v12 =	vsel vm7, v55, v31;
	vm9 =	vmor vm9, vm10;
	(xrf1) =	vsort.ascd.msk.f32 $0xffff, v53, v9  }
0x183: {  	v13 =	vsel vm7, v60, v13;
	v0 =	vsel vm9, v21, v0;
	(xrf1) =	vsort.dscd.msk.f32 $0xffff, v6, v35  }
0x184: {  	v10 =	vsel vm9, v24, v10;
	(xrf1) =	vsort.ascd.msk.f32 $0xffff, v12, v13  }
0x185: {  	vm2 =	veq.f32 v50, v32;
	v19 =	vsel vm6, v19, v46;
	(xrf1) =	vsort.dscd.msk.f32 $0xffff, v0, v10  }
0x186: {  	vm11 =	veq.f32 v27, v39;
	vm12 =	vlt.s32 v3, v5;
	v0, v56, _ =	vpop (xrf1);
	(xrf1) =	vsort.ascd.msk.f32 $0xffff, v19, v2;
	v2 =	vld [tilespmem:$0x1FF00]  }
0x187: {  	vm10 =	vlt.s32 v63, v4;
	vm3 =	vgt.f32 v27, v39;
	vm1 =	vmand vm11, vm12  }
0x188: {  	v31 =	vmovc v45;
	vm2 =	vmand vm2, vm10;
	vm1 =	vmor vm3, vm1;
	vm3 =	vgt.f32 v50, v32  }
0x189: {  	v3 =	vsel vm1, v3, v5;
	v23 =	vsel vm1, v27, v39;
	vm1 =	vmor vm3, vm2  }
0x18a: {  	[tilespmem:$0x1FFA0] =	vst v31;
	vm2 =	vlt.s32 v52, v48;
	v14 =	vmul.f32 $1.442695020e+00, v14;
	v38 =	vsel vm1, v50, v32  }
0x18b: {  	v4 =	vsel vm1, v63, v4;
	vm1 =	veq.f32 v51, v47;
	v31 =	vmov v2;
	v2, v57, _ =	vpop (xrf1);
	(xrf1) =	vsort.dscd.msk.f32 $0xffff, v23, v3;
	v3 =	vld [tilespmem:$0x1FF10]  }
0x18c: {  	vm3 =	vgt.f32 v51, v47;
	vm1 =	vmand vm1, vm2  }
0x18d: {  	(erf) = vpow2.f32 v14;
	vm1 =	vmor vm3, vm1  }
0x18e: {  	v21, _, _ =	vpop (xrf2);
	(erf) = vpow2.f32 v42;
	v54 =	vsel vm1, v51, v47;
	v55 =	vsel vm1, v52, v48  }
0x18f: {  	v53, _, _ =	vpop (xrf2);
	(erf) = vpow2.f32 v44;
	vm2 =	veq.f32 v2, v0;
	vm3 =	vlt.s32 v57, v56  }
0x190: {  	vm1 =	vgt.f32 v2, v0;
	vm2 =	vmand vm2, vm3;
	v32 =	vmov v3;
	v3, _, _ =	vpop (xrf2)  }
0x191: {  	v27 =	vmov v43;
	vm1 =	vmor vm1, vm2;
	v43 =	vbroadcast v3, $0xF;
	v3 =	vld [tilespmem:$0x1FF20]  }
0x192: {  	v0 =	vsel vm1, v2, v0  }
0x193: {  	(xrf1) =	vsort.ascd.msk.f32 $0xffff, v38, v4  }
0x194: {  	v4, v5, _ =	vpop (xrf1);
	(xrf1) =	vsort.dscd.msk.f32 $0xffff, v54, v55;
	v6 =	vsel vm1, v57, v56  }
0x195: {  	v24 =	vmov v41;
	v20 =	vmov v36;
	(xrf1) =	vsort.dscd.msk.f32 $0xffff, v0, v6;
	v0, v2, _ =	vpop (xrf1)  }
0x196: {  	v45 =	vbroadcast v7, $0xF;
	v50 =	vld [tilespmem:$0x1FFF0];
	v28 =	vmov v40;
	v30 =	vmov v3;
	v3 =	vpop (erf)  }
0x197: {  	v46 =	vadd.s32 s20, v37;
	v42 =	vbroadcast v21, $0xF;
	v40 =	vnsel vm0, $0x0, v3;
	v3 =	vpop (erf)  }
0x198: {  	vm2 =	veq.f32 v0, v4;
	vm3 =	vlt.s32 v2, v5;
	v38 =	vnsel vm0, $0x0, v3;
	v3 =	vpop (erf)  }
0x199: {  	vm1 =	vgt.f32 v0, v4;
	vm2 =	vmand vm2, vm3;
	(xrf2) =	vadd.scan.msk.f32 $0xffff, v40;
	v39 =	vnsel vm0, $0x0, v3;
	v3, v58, _ =	vpop (xrf1)  }
0x19a: {  	s15 =	sadd.s32 $0x40, s15;
	v21 =	vmov v33;
	v44 =	vbroadcast v62, $0xF;
	vm1 =	vmor vm1, vm2;
	(xrf2) =	vadd.scan.msk.f32 $0xffff, v38;
	v7, v8, _ =	vpop (xrf1)  }
0x19b: {  	v41 =	vbroadcast v53, $0xF;
	v36 =	vor.u32 s15, v50;
	v0 =	vsel vm1, v0, v4;
	v61, v60, _ =	vpop (xrf1)  }
0x19c: {  	v53 =	vsel vm1, v2, v5;
	vm15 =	veq.f32 v7, v3;
	vm8 =	vlt.s32 v8, v58;
	v62, v12, _ =	vpop (xrf1)  }
0x19d: {  	v23 =	vmovc v29;
	(xrf2) =	vadd.scan.msk.f32 $0xffff, v39;
	vm3 =	vgt.f32 v7, v3;
	vm2 =	vmand vm15, vm8;
	vm9 =	vgt.f32 v62, v61  }
0x19e: {  	vm10 =	veq.f32 v62, v61;
	vm11 =	vlt.s32 v12, v60;
	v13, v14, _ =	vpop (xrf1);
	vm2 =	vmor vm3, vm2  }
0x19f: {  	vm3 =	vmand vm10, vm11;
	v63, v19, _ =	vpop (xrf1);
	v55 =	vsel vm2, v7, v3;
	v6 =	vsel vm2, v8, v58  }
0x1a0: {  	vm13 =	veq.f32 v63, v13;
	vm14 =	vlt.s32 v19, v14;
	v48, v49, _ =	vpop (xrf1);
	vm1 =	vmor vm9, vm3  }
0x1a1: {  	vm12 =	vgt.f32 v63, v13;
	(xrf1) =	vsort.dscd.msk.f32 $0xffff, v0, v53;
	vm3 =	vmand vm13, vm14;
	v0, v2, _ =	vpop (xrf1);
	v57 =	vsel vm1, v62, v61  }
0x1a2: {  	s18 =	sadd.s32 $0x8, s18;
	v58 =	vsel vm1, v12, v60;
	vm2 =	veq.f32 v0, v48;
	vm15 =	vlt.s32 v2, v49;
	v56, v29, _ =	vpop (xrf1)  }
0x1a3: {  	p0 =	slt.u32 s18, $0x1F8;
	vm3 =	vmor vm12, vm3;
	vm1 =	vgt.f32 v0, v48;
	v54, _, _ =	vpop (xrf2);
	vm2 =	vmand vm2, vm15  }
.Ltmp1:
0x1a4: {  	v60 =	vsel vm3, v63, v13;
	v61 =	vsel vm3, v19, v14;
	v5 =	vbroadcast v54, $0xF;
	v3, _, _ =	vpop (xrf2);
	(pc) =	sbr.rel @p0 .LBB2_4-.Ltmp1, $4  }
0x1a5: {  	s26 =	sadd.s32 $0xFFFFFEC0, s19;
	s28 =	sadd.s32 $0xFFFFFF40, s19;
	(xrf1) =	vsort.dscd.msk.f32 $0xffff, v55, v6;
	v7 =	vmul.f32 $1.442695020e+00, v56;
	v62, v33, _ =	vpop (xrf1);
	v53 =	vadd.s32 s22, v29;
	v47 =	vbroadcast v3, $0xF  }
0x1a6: {  	s29 =	sadd.s32 $0xFFFFFFC0, s19;
	s17 =	sadd.s32 $0xFFFFFE40, s19;
	s16 =	smov.u32 s26;
	(xrf1) =	vsort.dscd.msk.f32 $0xffff, v57, v58;
	vm1 =	vmor vm1, vm2;
	v3 =	vmul.f32 $1.442695020e+00, v62;
	(erf) = vrcp.f32 v5  }
0x1a7: {  	s14 =	smov.u32 s28;
	s13 =	smov.u32 s29;
	s12 =	smov.u32 s19;
	(xrf1) =	vsort.dscd.msk.f32 $0xffff, v60, v61;
	v63, _, _ =	vpop (xrf2);
	v0 =	vsel vm1, v0, v48;
	v2 =	vsel vm1, v2, v49;
	(erf) = vpow2.f32 v7  }
0x1a8: {  	s19 =	sadd.s32 $0x200, s19;
	s23 =	sadd.s32 $0xFFFFFFF0, s15;
	v35 =	vadd.s32 s21, v33;
	s21 =	sadd.s32 $0xFFFFFFC8, s15;
	(xrf1) =	vsort.dscd.msk.f32 $0xffff, v0, v2;
	v49 =	vbroadcast v63, $0xF;
	(erf) = vpow2.f32 v3  }
0x1a9: {  	_ =	sdelay $0x2  }
0x1aa: {  	(erf) = vrcp.f32 v45;
	_ =	sdelay $0x2  }
0x1ab: {  	v2, v3, _ =	vpop (xrf1)  }
0x1ac: {  	v0 =	vpop (erf);
	(erf) = vrcp.f32 v44;
	v2 =	vmul.f32 $1.442695020e+00, v2  }
0x1ad: {  	(erf) = vrcp.f32 v49  }
0x1ae: {  	v61 =	vor.u32 s23, v50;
	v4 =	vpop (erf);
	(erf) = vrcp.f32 v42  }
0x1af: {  	(erf) = vrcp.f32 v41  }
0x1b0: {  	v0 =	vmul.f32 v0, v40;
	(erf) = vpow2.f32 v2;
	v2 =	vpop (erf)  }
0x1b1: {  	v12 =	vpop (erf)  }
0x1b2: {  	[tilespmem:v46+s8+$0x0] =	vst.idx.msk $0xff, v0;
	v0 =	vmul.f32 v12, v15  }
0x1b3: {  	v5, v6, _ =	vpop (xrf1);
	[tilespmem:v61+s9+$0x0] =	vst.idx.msk $0xff, v37  }
0x1b4: {  	v7, v8, _ =	vpop (xrf1);
	[tilespmem:v32+s8+$0x0] =	vst.idx.msk $0xff, v0  }
0x1b5: {  	v5 =	vmul.f32 $1.442695020e+00, v5;
	v7 =	vmul.f32 $1.442695020e+00, v7;
	v22 =	vld [tilespmem:$0x1FF80]  }
0x1b6: {  	(erf) = vrcp.f32 v43  }
0x1b7: {  	(erf) = vpow2.f32 v5  }
0x1b8: {  	(erf) = vrcp.f32 v47  }
0x1b9: {  	(erf) = vpow2.f32 v7;
	v7 =	vpop (erf)  }
0x1ba: {  	v0 =	vmul.f32 v7, v17;
	_ =	sdelay $0x1  }
0x1bb: {  	v4 =	vnsel vm0, $0x0, v4;
	[tilespmem:v30+s8+$0x0] =	vst.idx.msk $0xff, v0  }
0x1bc: {  	(xrf2) =	vadd.scan.msk.f32 $0xffff, v4;
	[tilespmem:v22+s9+$0x0] =	vst.idx.msk $0xff, v23  }
0x1bd: {  	v49 =	vld [tilespmem:$0x1FFC0];
	_ =	sdelay $0x4  }
0x1be: {  	v5, v9, _ =	vpop (xrf1)  }
0x1bf: {  	v5 =	vmul.f32 $1.442695020e+00, v5;
	_ =	sdelay $0x1  }
0x1c0: {  	v10, v11, _ =	vpop (xrf1);
	[tilespmem:v49+s9+$0x0] =	vst.idx.msk $0xff, v21  }
0x1c1: {  	(erf) = vpow2.f32 v5;
	v62, _, _ =	vpop (xrf2);
	v52 =	vld [tilespmem:$0x1FFE0]  }
0x1c2: {  	v5 =	vpop (erf)  }
0x1c3: {  	v54 =	vpop (erf)  }
0x1c4: {  	v13 =	vpop (erf)  }
0x1c5: {  	v14 =	vpop (erf)  }
0x1c6: {  	v19 =	vpop (erf)  }
0x1c7: {  	v10 =	vmul.f32 $1.442695020e+00, v10;
	v5 =	vmul.f32 v5, v39;
	v55 =	vpop (erf)  }
0x1c8: {  	v7 =	vbroadcast v62, $0xF;
	v56 =	vpop (erf)  }
0x1c9: {  	(erf) = vpow2.f32 v10;
	v57 =	vpop (erf);
	[tilespmem:v52+s8+$0x0] =	vst.idx.msk $0xff, v5  }
0x1ca: {  	v58 =	vpop (erf);
	(erf) = vrcp.f32 v7;
	v7 =	vmul.f32 v54, v25;
	v54 =	vld [tilespmem:$0x1FFD0];
	_ =	sdelay $0x4  }
0x1cb: {  	[tilespmem:v28+s9+$0x0] =	vst.idx.msk $0xff, v54  }
0x1cc: {  	v10 =	vld [tilespmem:$0x1FF50];
	_ =	sdelay $0x7  }
0x1cd: {  	[tilespmem:v10+s8+$0x0] =	vst.idx.msk $0xff, v7  }
0x1ce: {  	v41 =	vnsel vm0, $0x0, v55;
	v55 =	vld [tilespmem:$0x1FF30]  }
0x1cf: {  	v2 =	vnsel vm0, $0x0, v2  }
0x1d0: {  	(xrf2) =	vadd.scan.msk.f32 $0xffff, v2  }
0x1d1: {  	v10 =	vld [tilespmem:$0x1FF40];
	_ =	sdelay $0x4  }
0x1d2: {  	[tilespmem:v55+s9+$0x0] =	vst.idx.msk $0xff, v10  }
0x1d3: {  	v10 =	vld [tilespmem:$0x1FF70];
	_ =	sdelay $0x2  }
0x1d4: {  	v48, _, _ =	vpop (xrf2)  }
0x1d5: {  	v0 =	vbroadcast v48, $0xF  }
0x1d6: {  	v14 =	vnsel vm0, $0x0, v14  }
0x1d7: {  	(xrf2) =	vadd.scan.msk.f32 $0xffff, v14;
	(erf) = vrcp.f32 v0;
	v0 =	vmul.f32 v13, v20  }
0x1d8: {  	(xrf2) =	vadd.scan.msk.f32 $0xffff, v41;
	v43 =	vnsel vm0, $0x0, v57  }
0x1d9: {  	(xrf2) =	vadd.scan.msk.f32 $0xffff, v43;
	v44 =	vnsel vm0, $0x0, v58;
	v60 =	vpop (erf);
	[tilespmem:v10+s8+$0x0] =	vst.idx.msk $0xff, v0  }
0x1da: {  	v45 =	vnsel vm0, $0x0, v60;
	(xrf2) =	vadd.scan.msk.f32 $0xffff, v44;
	v12 =	vld [tilespmem:$0x1FFB0]  }
0x1db: {  	(xrf2) =	vadd.scan.msk.f32 $0xffff, v45;
	_ =	sdelay $0x1  }
0x1dc: {  	v10 =	vld [tilespmem:$0x1FF60];
	_ =	sdelay $0x3  }
0x1dd: {  	v63, _, _ =	vpop (xrf2)  }
0x1de: {  	v46, _, _ =	vpop (xrf2);
	[tilespmem:v12+s9+$0x0] =	vst.idx.msk $0xff, v10  }
0x1df: {  	v47, _, _ =	vpop (xrf2);
	v12 =	vld [tilespmem:$0x1FFA0]  }
0x1e0: {  	v48, _, _ =	vpop (xrf2)  }
0x1e1: {  	v51, _, _ =	vpop (xrf2)  }
0x1e2: {  	v5 =	vbroadcast v51, $0xF;
	_ =	sdelay $0x1  }
0x1e3: {  	(erf) = vrcp.f32 v5  }
0x1e4: {  	v5 =	vmul.f32 v19, v26;
	v7 =	vbroadcast v63, $0xF  }
0x1e5: {  	v0 =	vbroadcast v46, $0xF  }
0x1e6: {  	(erf) = vrcp.f32 v7;
	[tilespmem:v12+s8+$0x0] =	vst.idx.msk $0xff, v5  }
0x1e7: {  	(erf) = vrcp.f32 v0;
	v0 =	vld [tilespmem:$0x1FF90]  }
0x1e8: {  	v57 =	vpop (erf);
	v7 =	vmul.f32 v56, v38  }
0x1e9: {  	s0 =	sadd.s32 $0xFFFFFFD0, s15;
	v4 =	vmul.f32 v57, v4;
	v5 =	vbroadcast v47, $0xF  }
0x1ea: {  	v56 =	vor.u32 s0, v50  }
0x1eb: {  	[tilespmem:v24+s8+$0x0] =	vst.idx.msk $0xff, v7;
	(erf) = vrcp.f32 v5;
	v5 =	vadd.s32 s12, v11  }
0x1ec: {  	v7 =	vpop (erf);
	[tilespmem:v31+s9+$0x0] =	vst.idx.msk $0xff, v0;
	v0 =	vbroadcast v48, $0xF  }
0x1ed: {  	s26 =	sadd.s32 $0xFFFFFFE0, s15;
	[tilespmem:v53+s8+$0x0] =	vst.idx.msk $0xff, v4;
	v4 =	vpop (erf)  }
0x1ee: {  	v58 =	vor.u32 s26, v50;
	[tilespmem:v27+s9+$0x0] =	vst.idx.msk $0xff, v59;
	v4 =	vmul.f32 v4, v45;
	(erf) = vrcp.f32 v0  }
0x1ef: {  	[tilespmem:v56+s9+$0x0] =	vst.idx.msk $0xff, v29;
	v0 =	vmul.f32 v7, v2;
	v2 =	vadd.s32 s17, v3  }
0x1f0: {  	[tilespmem:v5+s8+$0x0] =	vst.idx.msk $0xff, v4;
	v7 =	vor.u32 s21, v50  }
0x1f1: {  	s28 =	sadd.s32 $0xFFFFFFD8, s15;
	v60 =	vpop (erf);
	[tilespmem:v35+s8+$0x0] =	vst.idx.msk $0xff, v0;
	v0 =	vadd.s32 s16, v6  }
0x1f2: {  	v61 =	vor.u32 s28, v50;
	v10 =	vmul.f32 v60, v14;
	[tilespmem:v36+s9+$0x0] =	vst.idx.msk $0xff, v11  }
0x1f3: {  	s29 =	sadd.s32 $0xFFFFFFE8, s15;
	v4 =	vadd.s32 s14, v8;
	v5 =	vpop (erf);
	[tilespmem:v58+s9+$0x0] =	vst.idx.msk $0xff, v33  }
0x1f4: {  	v62 =	vor.u32 s29, v50;
	v5 =	vmul.f32 v5, v41;
	[tilespmem:v2+s8+$0x0] =	vst.idx.msk $0xff, v10  }
0x1f5: {  	s30 =	sadd.s32 $0xFFFFFFF8, s15;
	v63 =	vpop (erf);
	v2 =	vadd.s32 s13, v9;
	[tilespmem:v7+s9+$0x0] =	vst.idx.msk $0xff, v3  }
0x1f6: {  	v3 =	vor.u32 s30, v50;
	v7 =	vmul.f32 v63, v43;
	[tilespmem:v0+s8+$0x0] =	vst.idx.msk $0xff, v5  }
0x1f7: {  	[tilespmem:v61+s9+$0x0] =	vst.idx.msk $0xff, v6;
	v0 =	vpop (erf)  }
0x1f8: {  	[tilespmem:v4+s8+$0x0] =	vst.idx.msk $0xff, v7;
	v0 =	vmul.f32 v0, v44  }
0x1f9: {  	[tilespmem:v62+s9+$0x0] =	vst.idx.msk $0xff, v8  }
0x1fa: {  	[tilespmem:v2+s8+$0x0] =	vst.idx.msk $0xff, v0  }
0x1fb: {  	[tilespmem:v3+s9+$0x0] =	vst.idx.msk $0xff, v9  }
0x1fc: {  	s31 =	rddreg [dreg:$0x5]  }
0x1fd: {  	[hbm4b:s31+s2] =	stream.linear.scatter [tilespmem:s8], [sflag:$0x1], $0x8000, $0x38;
	[tilespmem:$0x11000] =	vst v63  }
0x1fe: {  	s10 =	sadd.s32 $0x1, s10;
	_ =	swait.ge [sflag:s7], $0x8000  }
0x1ff: {  	p0 =	sne.s32 s10, s6;
	[sflag:s7] =	ssyncset.done $0x0  }
.Ltmp2:
0x200: {  	[sflag:s7] =	ssyncadd.s32 $0xFFFF8000;
	(pc) =	sbr.rel @p0 .LBB2_1-.Ltmp2, $4  }
0x201: {  	[hbm4b:s5+s2] =	stream.linear.scatter [tilespmem:s9], [sflag:$0x1], $0x1000, $0x38;
	[tilespmem:$0x11000] =	vst v63  }
0x202: {  	_ =	swait.ge [sflag:s7], $0x1000  }
0x203: {  	[sflag:s7] =	ssyncset.done $0x0  }
0x204: {  	v4 =	vmovc v34;
	v0 =	vlaneseq.u32;
	v2 =	vmov v16;
	v3 =	vmov v18;
	[sflag:s7] =	ssyncadd.s32 $0xFFFFF000  }
0x205: {  	_ =	sfence.sel $0x180000  }
0x206: {  	[bflag:$0x0] =	sbarrier.arrive $0xFFFF  }
0x207: {  	_ =	strace $0x90000047  }
0x208: {  	s0 =	stileid.u32;
	[bflag:$0x2] =	sbarrier.arrive $0xFFFF  }
0x209: {  	p0 =	sne.s32 s0, $0x0;
	s0 =	rddreg [dreg:$0x3]  }
0x20a: {  	s0 =	sadd.s32 @!p0 $0x100000, s0  }
0x20b: {  	[sflag:s0] =	ssyncadd.tile.s32 @!p0 $0x1;
	_ =	shalt  }
.Lfunc_end2:
_tile_overlayer_lowered:
.L_overlay_start_2:
0x20c: {  	(tag) =	ssettag $0x2  }
0x20d: {  	s0 =	rddreg [dreg:$0x0];
	s2 =	stileid.u32  }
0x20e: {  	s1 =	rddreg [dreg:$0x1];
	p0 =	sne.s32 s2, $0x0  }
0x20f: {  	s3 =	rddreg [dreg:$0x2];
	[bflag:$0x3] =	sbarrier.arrive $0xFFFF;
	s2 =	simm.s32 @!p0 $0x1C01  }
0x210: {  	[timem:s3], [sflag:s2] =	dma.local @!p0 [hbm:s0], s1  }
0x211: {  	s0 =	simm.s32 @!p0 $0x1  }
0x212: {  	_ =	swait.ge @!p0 [sflag:s0], s1  }
0x213: {  	s1 =	ssub.s32 @!p0 $0x0, s1;
	[sflag:s0] =	ssyncset.done @!p0 $0x0  }
0x214: {  	[sflag:s0] =	ssyncadd.s32 @!p0 s1  }
0x215: {  	[bflag:$0x3] =	sbarrier.arrive $0xFFFF  }
0x216: {  	_ =	shalt  }

</sc_bundles>
